<compile_context>
chip_gen: v7x
topology: tpu7x:2x2x1
jax: 0.10.2.dev20260603
libtpu: 0.0.44.dev20260713+nightly
codegen_flags: <defaults>
</compile_context>

<pallas_src>
import functools

import jax
import jax.numpy as jnp
from jax import lax
from jax.experimental import pallas as pl
from jax.experimental.pallas import tpu as pltpu
from jax.experimental.pallas import tpu_sc as plsc

N = 10000
E = 160000
DIN = 256
DOUT = 256
ALPHA = 0.2

HALF = 128
ACCW = 144
EB = 128
NSUB = 16
CHUNK_B = 79
CHUNK = CHUNK_B * EB
E_PAD = NSUB * CHUNK
ROWS_PER_SUB = 632
N_ACC = NSUB * ROWS_PER_SUB
_ZCHUNKS = ((0, 128), (128, 128), (256, 128), (384, 128), (512, 120))


def _mm_body(x_ref, w_ref, a2_ref, wh_ref, s2_ref):
    wh = lax.dot_general(x_ref[...], w_ref[...], (((1,), (1,)), ((), ())),
                         preferred_element_type=jnp.float32)
    wh_ref[0] = wh[:, :HALF]
    wh_ref[1] = wh[:, HALF:]
    s2_ref[...] = lax.dot_general(wh, a2_ref[...], (((1,), (0,)), ((), ())),
                                  preferred_element_type=jnp.float32)


def _matmul(x, W, a2):
    BN = 1000
    grid = N // BN
    return pl.pallas_call(
        _mm_body,
        grid=(grid,),
        in_specs=[
            pl.BlockSpec((BN, DIN), lambda i: (i, 0)),
            pl.BlockSpec((DOUT, DIN), lambda i: (0, 0)),
            pl.BlockSpec((DIN, 2), lambda i: (0, 0)),
        ],
        out_specs=[
            pl.BlockSpec((2, BN, HALF), lambda i: (0, i, 0)),
            pl.BlockSpec((BN, 2), lambda i: (i, 0)),
        ],
        out_shape=[
            jax.ShapeDtypeStruct((2, N, HALF), jnp.float32),
            jax.ShapeDtypeStruct((N, 2), jnp.float32),
        ],
    )(x, W, a2)


def _sc_call(row_p, col_p, s_i, s_j, wh_cat):
    mesh = plsc.VectorSubcoreMesh(core_axis_name="c", subcore_axis_name="s")

    @functools.partial(
        pl.kernel,
        mesh=mesh,
        compiler_params=pltpu.CompilerParams(needs_layout_passes=False,
                                             use_tc_tiling_on_sc=False),
        out_type=[
            jax.ShapeDtypeStruct((2, N_ACC, HALF), jnp.float32),
            jax.ShapeDtypeStruct((N_ACC, 16), jnp.float32),
        ],
        scratch_types=[
            pltpu.VMEM((N,), jnp.float32),
            pltpu.VMEM((N,), jnp.float32),
            pltpu.VMEM((EB,), jnp.int32),
            pltpu.VMEM((EB,), jnp.int32),
            pltpu.VMEM((EB,), jnp.float32),
            pltpu.VMEM((EB, HALF), jnp.float32),
            pltpu.VMEM((EB, 16), jnp.float32),
            pltpu.VMEM_SHARED((N_ACC, HALF), jnp.float32),
            pltpu.VMEM_SHARED((N_ACC, 16), jnp.float32),
            pltpu.SemaphoreType.DMA,
        ],
    )
    def sc_kernel(row_hbm, col_hbm, si_hbm, sj_hbm, whcat_hbm,
                  out_hbm, outd_hbm,
                  si_v, sj_v, rowb_v, colb_v, wb_v, gbuf_v, wbuf_v,
                  acc_sh, accd_sh, gsem):
        cid = lax.axis_index("c")
        sid = lax.axis_index("s")
        lane = lax.iota(jnp.int32, 16)
        zeros16 = jnp.zeros((16,), jnp.float32)

        pltpu.sync_copy(si_hbm, si_v)
        pltpu.sync_copy(sj_hbm, sj_v)

        def _zrow(r, _):
            for k in range(HALF // 16):
                gbuf_v[r, pl.ds(k * 16, 16)] = zeros16
            wbuf_v[r, pl.ds(0, 16)] = zeros16
            return 0
        lax.fori_loop(0, EB, _zrow, 0)
        zbase = sid * ROWS_PER_SUB
        for off, nrows in _ZCHUNKS:
            pltpu.sync_copy(gbuf_v.at[pl.ds(0, nrows)],
                            acc_sh.at[pl.ds(zbase + off, nrows)])
            pltpu.sync_copy(wbuf_v.at[pl.ds(0, nrows)],
                            accd_sh.at[pl.ds(zbase + off, nrows)])
        plsc.subcore_barrier()

        col_off = cid * N

        def _batch(b, _):
            start = sid * CHUNK + b * EB
            pltpu.sync_copy(row_hbm.at[pl.ds(start, EB)], rowb_v)
            pltpu.sync_copy(col_hbm.at[pl.ds(start, EB)], colb_v)
            for k in range(EB // 16):
                off = k * 16
                rv = rowb_v[pl.ds(off, 16)]
                cv = colb_v[pl.ds(off, 16)]
                e = plsc.load_gather(si_v, [rv]) + plsc.load_gather(sj_v, [cv])
                e = jnp.where(e > 0, e, ALPHA * e)
                w = jnp.exp(e)
                gi = start + off + lane
                w = jnp.where(gi < E, w, 0.0)
                wb_v[pl.ds(off, 16)] = w
                plsc.store_scatter(wbuf_v, [off + lane, lane * 0], w)
                colb_v[pl.ds(off, 16)] = cv + col_off
            pltpu.async_copy(whcat_hbm.at[colb_v], gbuf_v, gsem).wait()

            def _srow(r, _):
                wspl = plsc.load_gather(wb_v, [jnp.full((16,), r, jnp.int32)])
                for k in range(HALF // 16):
                    gbuf_v[r, pl.ds(k * 16, 16)] = (
                        gbuf_v[r, pl.ds(k * 16, 16)] * wspl)
                return 0
            lax.fori_loop(0, EB, _srow, 0)

            pltpu.sync_copy(gbuf_v, acc_sh.at[rowb_v], add=True)
            pltpu.sync_copy(wbuf_v, accd_sh.at[rowb_v], add=True)
            return 0

        lax.fori_loop(0, CHUNK_B, _batch, 0)
        plsc.subcore_barrier()

        wbase = sid * ROWS_PER_SUB
        for off, nrows in _ZCHUNKS:
            pltpu.sync_copy(acc_sh.at[pl.ds(wbase + off, nrows)],
                            out_hbm.at[cid, pl.ds(wbase + off, nrows)])

        @pl.when(cid == 0)
        def _():
            for off, nrows in _ZCHUNKS:
                pltpu.sync_copy(accd_sh.at[pl.ds(wbase + off, nrows)],
                                outd_hbm.at[pl.ds(wbase + off, nrows)])

    return sc_kernel(row_p, col_p, s_i, s_j, wh_cat)


def _elu_body(acc0_ref, acc1_ref, den_ref, out_ref):
    num = jnp.concatenate([acc0_ref[...], acc1_ref[...]], axis=1)
    den = den_ref[:, 0:1]
    pos = den > 0
    z = jnp.where(pos, num / jnp.where(pos, den, 1.0), 0.0)
    out_ref[...] = jnp.where(z > 0, z, jnp.exp(z) - 1.0)


def _epilogue(acc, den):
    BN = 1000
    grid = N // BN
    return pl.pallas_call(
        _elu_body,
        grid=(grid,),
        in_specs=[
            pl.BlockSpec((BN, HALF), lambda i: (i, 0)),
            pl.BlockSpec((BN, HALF), lambda i: (i, 0)),
            pl.BlockSpec((BN, 16), lambda i: (i, 0)),
        ],
        out_specs=pl.BlockSpec((BN, DOUT), lambda i: (i, 0)),
        out_shape=jax.ShapeDtypeStruct((N, DOUT), jnp.float32),
    )(acc[0], acc[1], den)


def kernel(x, edge_index, W, a):
    a2 = jnp.stack([a[0, :DOUT], a[0, DOUT:]], axis=1)
    wh_halves, s2 = _matmul(x, W, a2)
    wh_cat = wh_halves.reshape(2 * N, HALF)
    s_i = s2[:, 0]
    s_j = s2[:, 1]
    row = jnp.pad(edge_index[0], (0, E_PAD - E))
    col = jnp.pad(edge_index[1], (0, E_PAD - E))
    acc, den = _sc_call(row, col, s_i, s_j, wh_cat)
    return _epilogue(acc[:, :N, :], den[:N])

# --- scband reference (transcript-rebuilt; emitter-appended) ---
"""Pipeline reference for scband-gatlayer-57062935494774 (READ-ONLY COPY).

The authoritative reference and input builder live on the scoring server;
editing this copy changes nothing except your own understanding.
"""

import jax, jax.numpy as jnp
import numpy as np

N = 10000
E = 160000
DIN = 256
DOUT = 256
ALPHA = 0.2


def setup_inputs(seed: int = 0) -> dict:
    key = jax.random.key(seed)
    k1, k2, k3, k4 = jax.random.split(key, 4)
    x = jax.random.normal(k1, (N, DIN), dtype=jnp.float32)
    edge_index = jax.random.randint(k2, (2, E), 0, N, dtype=jnp.int32)
    # nn.Linear(in_dim, out_dim, bias=False) -> weight [out_dim, in_dim]
    W = jax.random.normal(k3, (DOUT, DIN), dtype=jnp.float32) * (1.0 / np.sqrt(DIN))
    # nn.Linear(2*out_dim, 1, bias=False) -> weight [1, 2*out_dim]
    a = jax.random.normal(k4, (1, 2 * DOUT), dtype=jnp.float32) * (1.0 / np.sqrt(2 * DOUT))
    return {"x": x, "edge_index": edge_index, "W": W, "a": a}


def reference(x, edge_index, W, a):
    # Wh = self.W(x)
    Wh = x @ W.T
    row = edge_index[0]
    col = edge_index[1]
    # e = leakyrelu(a([Wh_i, Wh_j])) ; split a into src/dst halves (equivalent to concat)
    a_i = a[0, :DOUT]
    a_j = a[0, DOUT:]
    e = Wh[row] @ a_i + Wh[col] @ a_j
    e = jnp.where(e > 0, e, ALPHA * e)  # LeakyReLU
    # sparse softmax over dim=1 (per destination row)
    m = jax.ops.segment_max(e, row, num_segments=N)
    e_exp = jnp.exp(e - m[row])
    denom = jax.ops.segment_sum(e_exp, row, num_segments=N)
    attn = e_exp / denom[row]
    # dropout in eval mode -> identity
    # out = sparse.mm(attn, Wh)
    out = jax.ops.segment_sum(attn[:, None] * Wh[col], row, num_segments=N)
    return jax.nn.elu(out)

if __name__ == "__main__":
    import jax
    _d = setup_inputs()
    print(jax.jit(kernel)(*tuple(_d.values())))

</pallas_src>

<mosaic_0001>
#map = affine_map<(d0, d1) -> (0)>
#map1 = affine_map<(d0, d1) -> (0, 0)>
#map2 = affine_map<(d0, d1) -> (0, 0, 0)>
module attributes {stable_mosaic.version = 14 : i64} {
  func.func @sc_kernel(%arg0: i32, %arg1: i32, %arg2: memref<161792xi32, #tpu.memory_space<hbm>>, %arg3: memref<161792xi32, #tpu.memory_space<hbm>>, %arg4: memref<10000xf32, #tpu.memory_space<hbm>>, %arg5: memref<10000xf32, #tpu.memory_space<hbm>>, %arg6: memref<20000x128xf32, #tpu.memory_space<hbm>>, %arg7: memref<2x10112x128xf32, #tpu.memory_space<hbm>>, %arg8: memref<10112x16xf32, #tpu.memory_space<hbm>>, %arg9: memref<10000xf32, #tpu.memory_space<vmem>>, %arg10: memref<10000xf32, #tpu.memory_space<vmem>>, %arg11: memref<128xi32, #tpu.memory_space<vmem>>, %arg12: memref<128xi32, #tpu.memory_space<vmem>>, %arg13: memref<128xf32, #tpu.memory_space<vmem>>, %arg14: memref<128x128xf32, #tpu.memory_space<vmem>>, %arg15: memref<128x16xf32, #tpu.memory_space<vmem>>, %arg16: memref<10112x128xf32, #tpu.memory_space<vmem_shared>>, %arg17: memref<10112x16xf32, #tpu.memory_space<vmem_shared>>, %arg18: memref<!tpu.dma_semaphore, #tpu.memory_space<semaphore_mem>>) attributes {dimension_semantics = [#tpu.dimension_semantics<core_parallel>, #tpu.dimension_semantics<subcore_parallel>], iteration_bounds = array<i64: 2, 16>, scalar_prefetch = 0 : i64, scratch_operands = 10 : i64, tpu.core_type = #tpu.core_type<sc_vector_subcore>, window_params = [{transform_indices = #map}, {transform_indices = #map}, {transform_indices = #map}, {transform_indices = #map}, {transform_indices = #map1}, {transform_indices = #map2}, {transform_indices = #map1}]} {
    %iota3A = tpu.iota {dimensions = array<i32: 0>} : vector<16xi32>
    %broadcast_in_dim3A = arith.constant 0.000000e+00 : f32
    %broadcast_in_dim3A_0 = vector.broadcast %broadcast_in_dim3A : f32 to vector<16xf32>
    "tpu.region"() ({
      %run_scoped3A = tpu.sem_alloc : memref<!tpu.dma_semaphore, #tpu.memory_space<semaphore_mem>>
      tpu.enqueue_dma source(%arg4 : memref<10000xf32, #tpu.memory_space<hbm>>) target(%arg9 : memref<10000xf32, #tpu.memory_space<vmem>>) target_semaphore(%run_scoped3A : memref<!tpu.dma_semaphore, #tpu.memory_space<semaphore_mem>>)
      tpu.wait_dma2 semaphore(%run_scoped3A : memref<!tpu.dma_semaphore, #tpu.memory_space<semaphore_mem>>) src(%arg4 : memref<10000xf32, #tpu.memory_space<hbm>>) dst(%arg9 : memref<10000xf32, #tpu.memory_space<vmem>>)
      tpu.yield
    }) : () -> ()
    "tpu.region"() ({
      %run_scoped3A = tpu.sem_alloc : memref<!tpu.dma_semaphore, #tpu.memory_space<semaphore_mem>>
      tpu.enqueue_dma source(%arg5 : memref<10000xf32, #tpu.memory_space<hbm>>) target(%arg10 : memref<10000xf32, #tpu.memory_space<vmem>>) target_semaphore(%run_scoped3A : memref<!tpu.dma_semaphore, #tpu.memory_space<semaphore_mem>>)
      tpu.wait_dma2 semaphore(%run_scoped3A : memref<!tpu.dma_semaphore, #tpu.memory_space<semaphore_mem>>) src(%arg5 : memref<10000xf32, #tpu.memory_space<hbm>>) dst(%arg10 : memref<10000xf32, #tpu.memory_space<vmem>>)
      tpu.yield
    }) : () -> ()
    %scan3A = arith.constant 0 : i32
    %scan3A_1 = arith.constant 0 : i32
    %scan3A_2 = arith.constant 128 : i32
    %scan3A_3 = arith.addi %scan3A_1, %scan3A_2 : i32
    %scan3A_4 = arith.constant 1 : i32
    %scan3A_5 = scf.for %scan3A_61 = %scan3A_1 to %scan3A_3 step %scan3A_4 iter_args(%scan3A_62 = %scan3A) -> (i32)  : i32 {
      %swap3A = arith.index_cast %scan3A_61 : i32 to index
      %swap3A_63 = arith.constant 0 : index
      %swap3A_64 = tpu.vector_load %arg14[%swap3A, %swap3A_63] {strides = array<i32>} : memref<128x128xf32, #tpu.memory_space<vmem>>, vector<16xf32>,
      tpu.vector_store %arg14[%swap3A, %swap3A_63], %broadcast_in_dim3A_0 {strides = array<i32>} : memref<128x128xf32, #tpu.memory_space<vmem>>, vector<16xf32>,
      %swap3A_65 = arith.index_cast %scan3A_61 : i32 to index
      %swap3A_66 = arith.constant 16 : index
      %swap3A_67 = tpu.vector_load %arg14[%swap3A_65, %swap3A_66] {strides = array<i32>} : memref<128x128xf32, #tpu.memory_space<vmem>>, vector<16xf32>,
      tpu.vector_store %arg14[%swap3A_65, %swap3A_66], %broadcast_in_dim3A_0 {strides = array<i32>} : memref<128x128xf32, #tpu.memory_space<vmem>>, vector<16xf32>,
      %swap3A_68 = arith.index_cast %scan3A_61 : i32 to index
      %swap3A_69 = arith.constant 32 : index
      %swap3A_70 = tpu.vector_load %arg14[%swap3A_68, %swap3A_69] {strides = array<i32>} : memref<128x128xf32, #tpu.memory_space<vmem>>, vector<16xf32>,
      tpu.vector_store %arg14[%swap3A_68, %swap3A_69], %broadcast_in_dim3A_0 {strides = array<i32>} : memref<128x128xf32, #tpu.memory_space<vmem>>, vector<16xf32>,
      %swap3A_71 = arith.index_cast %scan3A_61 : i32 to index
      %swap3A_72 = arith.constant 48 : index
      %swap3A_73 = tpu.vector_load %arg14[%swap3A_71, %swap3A_72] {strides = array<i32>} : memref<128x128xf32, #tpu.memory_space<vmem>>, vector<16xf32>,
      tpu.vector_store %arg14[%swap3A_71, %swap3A_72], %broadcast_in_dim3A_0 {strides = array<i32>} : memref<128x128xf32, #tpu.memory_space<vmem>>, vector<16xf32>,
      %swap3A_74 = arith.index_cast %scan3A_61 : i32 to index
      %swap3A_75 = arith.constant 64 : index
      %swap3A_76 = tpu.vector_load %arg14[%swap3A_74, %swap3A_75] {strides = array<i32>} : memref<128x128xf32, #tpu.memory_space<vmem>>, vector<16xf32>,
      tpu.vector_store %arg14[%swap3A_74, %swap3A_75], %broadcast_in_dim3A_0 {strides = array<i32>} : memref<128x128xf32, #tpu.memory_space<vmem>>, vector<16xf32>,
      %swap3A_77 = arith.index_cast %scan3A_61 : i32 to index
      %swap3A_78 = arith.constant 80 : index
      %swap3A_79 = tpu.vector_load %arg14[%swap3A_77, %swap3A_78] {strides = array<i32>} : memref<128x128xf32, #tpu.memory_space<vmem>>, vector<16xf32>,
      tpu.vector_store %arg14[%swap3A_77, %swap3A_78], %broadcast_in_dim3A_0 {strides = array<i32>} : memref<128x128xf32, #tpu.memory_space<vmem>>, vector<16xf32>,
      %swap3A_80 = arith.index_cast %scan3A_61 : i32 to index
      %swap3A_81 = arith.constant 96 : index
      %swap3A_82 = tpu.vector_load %arg14[%swap3A_80, %swap3A_81] {strides = array<i32>} : memref<128x128xf32, #tpu.memory_space<vmem>>, vector<16xf32>,
      tpu.vector_store %arg14[%swap3A_80, %swap3A_81], %broadcast_in_dim3A_0 {strides = array<i32>} : memref<128x128xf32, #tpu.memory_space<vmem>>, vector<16xf32>,
      %swap3A_83 = arith.index_cast %scan3A_61 : i32 to index
      %swap3A_84 = arith.constant 112 : index
      %swap3A_85 = tpu.vector_load %arg14[%swap3A_83, %swap3A_84] {strides = array<i32>} : memref<128x128xf32, #tpu.memory_space<vmem>>, vector<16xf32>,
      tpu.vector_store %arg14[%swap3A_83, %swap3A_84], %broadcast_in_dim3A_0 {strides = array<i32>} : memref<128x128xf32, #tpu.memory_space<vmem>>, vector<16xf32>,
      %swap3A_86 = arith.index_cast %scan3A_61 : i32 to index
      %swap3A_87 = arith.constant 0 : index
      %swap3A_88 = tpu.vector_load %arg15[%swap3A_86, %swap3A_87] {strides = array<i32>} : memref<128x16xf32, #tpu.memory_space<vmem>>, vector<16xf32>,
      tpu.vector_store %arg15[%swap3A_86, %swap3A_87], %broadcast_in_dim3A_0 {strides = array<i32>} : memref<128x16xf32, #tpu.memory_space<vmem>>, vector<16xf32>,
      %scan3A_89 = arith.constant 0 : i32
      scf.yield %scan3A_89 : i32
    }
    %scan3A_6 = arith.constant 128 : i32
    %mul3A = arith.constant 632 : i32
    %mul3A_7 = arith.muli %arg1, %mul3A : i32
    %add3A = arith.constant 0 : i32
    %add3A_8 = arith.addi %mul3A_7, %add3A : i32
    "tpu.region"() ({
      %run_scoped3A = tpu.sem_alloc : memref<!tpu.dma_semaphore, #tpu.memory_space<semaphore_mem>>
      %dma_start3A = arith.constant 0 : i32
      %dma_start3A_61 = arith.constant 0 : i32
      %dma_start3A_62 = tpu.memref_slice %arg14[%dma_start3A, %dma_start3A_61] : memref<128x128xf32, #tpu.memory_space<vmem>> -> memref<128x128xf32, #tpu.memory_space<vmem>>
      %dma_start3A_63 = arith.constant 0 : i32
      %dma_start3A_64 = tpu.memref_slice %arg16[%add3A_8, %dma_start3A_63] : memref<10112x128xf32, #tpu.memory_space<vmem_shared>> -> memref<128x128xf32, #tpu.memory_space<vmem_shared>>
      %dma_start3A_65 = arith.constant 0 : i32
      %dma_start3A_66 = tpu.memref_slice %arg16[%add3A_8, %dma_start3A_65] : memref<10112x128xf32, #tpu.memory_space<vmem_shared>> -> memref<128x128xf32, #tpu.memory_space<vmem_shared>>
      %dma_start3A_67 = arith.constant 0 : i32
      %dma_start3A_68 = arith.constant 0 : i32
      %dma_start3A_69 = tpu.memref_slice %arg14[%dma_start3A_67, %dma_start3A_68] : memref<128x128xf32, #tpu.memory_space<vmem>> -> memref<128x128xf32, #tpu.memory_space<vmem>>
      tpu.enqueue_dma source(%dma_start3A_69 : memref<128x128xf32, #tpu.memory_space<vmem>>) target(%dma_start3A_66 : memref<128x128xf32, #tpu.memory_space<vmem_shared>>) target_semaphore(%run_scoped3A : memref<!tpu.dma_semaphore, #tpu.memory_space<semaphore_mem>>)
      %dma_wait3A = arith.constant 0 : i32
      %dma_wait3A_70 = arith.constant 0 : i32
      %dma_wait3A_71 = tpu.memref_slice %arg14[%dma_wait3A, %dma_wait3A_70] : memref<128x128xf32, #tpu.memory_space<vmem>> -> memref<128x128xf32, #tpu.memory_space<vmem>>
      %dma_wait3A_72 = arith.constant 0 : i32
      %dma_wait3A_73 = tpu.memref_slice %arg16[%add3A_8, %dma_wait3A_72] : memref<10112x128xf32, #tpu.memory_space<vmem_shared>> -> memref<128x128xf32, #tpu.memory_space<vmem_shared>>
      %dma_wait3A_74 = arith.constant 0 : i32
      %dma_wait3A_75 = tpu.memref_slice %arg16[%add3A_8, %dma_wait3A_74] : memref<10112x128xf32, #tpu.memory_space<vmem_shared>> -> memref<128x128xf32, #tpu.memory_space<vmem_shared>>
      %dma_wait3A_76 = arith.constant 0 : i32
      %dma_wait3A_77 = arith.constant 0 : i32
      %dma_wait3A_78 = tpu.memref_slice %arg14[%dma_wait3A_76, %dma_wait3A_77] : memref<128x128xf32, #tpu.memory_space<vmem>> -> memref<128x128xf32, #tpu.memory_space<vmem>>
      tpu.wait_dma2 semaphore(%run_scoped3A : memref<!tpu.dma_semaphore, #tpu.memory_space<semaphore_mem>>) src(%dma_wait3A_78 : memref<128x128xf32, #tpu.memory_space<vmem>>) dst(%dma_wait3A_75 : memref<128x128xf32, #tpu.memory_space<vmem_shared>>)
      tpu.yield
    }) : () -> ()
    %add3A_9 = arith.constant 0 : i32
    %add3A_10 = arith.addi %mul3A_7, %add3A_9 : i32
    "tpu.region"() ({
      %run_scoped3A = tpu.sem_alloc : memref<!tpu.dma_semaphore, #tpu.memory_space<semaphore_mem>>
      %dma_start3A = arith.constant 0 : i32
      %dma_start3A_61 = arith.constant 0 : i32
      %dma_start3A_62 = tpu.memref_slice %arg15[%dma_start3A, %dma_start3A_61] : memref<128x16xf32, #tpu.memory_space<vmem>> -> memref<128x16xf32, #tpu.memory_space<vmem>>
      %dma_start3A_63 = arith.constant 0 : i32
      %dma_start3A_64 = tpu.memref_slice %arg17[%add3A_10, %dma_start3A_63] : memref<10112x16xf32, #tpu.memory_space<vmem_shared>> -> memref<128x16xf32, #tpu.memory_space<vmem_shared>>
      %dma_start3A_65 = arith.constant 0 : i32
      %dma_start3A_66 = tpu.memref_slice %arg17[%add3A_10, %dma_start3A_65] : memref<10112x16xf32, #tpu.memory_space<vmem_shared>> -> memref<128x16xf32, #tpu.memory_space<vmem_shared>>
      %dma_start3A_67 = arith.constant 0 : i32
      %dma_start3A_68 = arith.constant 0 : i32
      %dma_start3A_69 = tpu.memref_slice %arg15[%dma_start3A_67, %dma_start3A_68] : memref<128x16xf32, #tpu.memory_space<vmem>> -> memref<128x16xf32, #tpu.memory_space<vmem>>
      tpu.enqueue_dma source(%dma_start3A_69 : memref<128x16xf32, #tpu.memory_space<vmem>>) target(%dma_start3A_66 : memref<128x16xf32, #tpu.memory_space<vmem_shared>>) target_semaphore(%run_scoped3A : memref<!tpu.dma_semaphore, #tpu.memory_space<semaphore_mem>>)
      %dma_wait3A = arith.constant 0 : i32
      %dma_wait3A_70 = arith.constant 0 : i32
      %dma_wait3A_71 = tpu.memref_slice %arg15[%dma_wait3A, %dma_wait3A_70] : memref<128x16xf32, #tpu.memory_space<vmem>> -> memref<128x16xf32, #tpu.memory_space<vmem>>
      %dma_wait3A_72 = arith.constant 0 : i32
      %dma_wait3A_73 = tpu.memref_slice %arg17[%add3A_10, %dma_wait3A_72] : memref<10112x16xf32, #tpu.memory_space<vmem_shared>> -> memref<128x16xf32, #tpu.memory_space<vmem_shared>>
      %dma_wait3A_74 = arith.constant 0 : i32
      %dma_wait3A_75 = tpu.memref_slice %arg17[%add3A_10, %dma_wait3A_74] : memref<10112x16xf32, #tpu.memory_space<vmem_shared>> -> memref<128x16xf32, #tpu.memory_space<vmem_shared>>
      %dma_wait3A_76 = arith.constant 0 : i32
      %dma_wait3A_77 = arith.constant 0 : i32
      %dma_wait3A_78 = tpu.memref_slice %arg15[%dma_wait3A_76, %dma_wait3A_77] : memref<128x16xf32, #tpu.memory_space<vmem>> -> memref<128x16xf32, #tpu.memory_space<vmem>>
      tpu.wait_dma2 semaphore(%run_scoped3A : memref<!tpu.dma_semaphore, #tpu.memory_space<semaphore_mem>>) src(%dma_wait3A_78 : memref<128x16xf32, #tpu.memory_space<vmem>>) dst(%dma_wait3A_75 : memref<128x16xf32, #tpu.memory_space<vmem_shared>>)
      tpu.yield
    }) : () -> ()
    %add3A_11 = arith.constant 128 : i32
    %add3A_12 = arith.addi %mul3A_7, %add3A_11 : i32
    "tpu.region"() ({
      %run_scoped3A = tpu.sem_alloc : memref<!tpu.dma_semaphore, #tpu.memory_space<semaphore_mem>>
      %dma_start3A = arith.constant 0 : i32
      %dma_start3A_61 = arith.constant 0 : i32
      %dma_start3A_62 = tpu.memref_slice %arg14[%dma_start3A, %dma_start3A_61] : memref<128x128xf32, #tpu.memory_space<vmem>> -> memref<128x128xf32, #tpu.memory_space<vmem>>
      %dma_start3A_63 = arith.constant 0 : i32
      %dma_start3A_64 = tpu.memref_slice %arg16[%add3A_12, %dma_start3A_63] : memref<10112x128xf32, #tpu.memory_space<vmem_shared>> -> memref<128x128xf32, #tpu.memory_space<vmem_shared>>
      %dma_start3A_65 = arith.constant 0 : i32
      %dma_start3A_66 = tpu.memref_slice %arg16[%add3A_12, %dma_start3A_65] : memref<10112x128xf32, #tpu.memory_space<vmem_shared>> -> memref<128x128xf32, #tpu.memory_space<vmem_shared>>
      %dma_start3A_67 = arith.constant 0 : i32
      %dma_start3A_68 = arith.constant 0 : i32
      %dma_start3A_69 = tpu.memref_slice %arg14[%dma_start3A_67, %dma_start3A_68] : memref<128x128xf32, #tpu.memory_space<vmem>> -> memref<128x128xf32, #tpu.memory_space<vmem>>
      tpu.enqueue_dma source(%dma_start3A_69 : memref<128x128xf32, #tpu.memory_space<vmem>>) target(%dma_start3A_66 : memref<128x128xf32, #tpu.memory_space<vmem_shared>>) target_semaphore(%run_scoped3A : memref<!tpu.dma_semaphore, #tpu.memory_space<semaphore_mem>>)
      %dma_wait3A = arith.constant 0 : i32
      %dma_wait3A_70 = arith.constant 0 : i32
      %dma_wait3A_71 = tpu.memref_slice %arg14[%dma_wait3A, %dma_wait3A_70] : memref<128x128xf32, #tpu.memory_space<vmem>> -> memref<128x128xf32, #tpu.memory_space<vmem>>
      %dma_wait3A_72 = arith.constant 0 : i32
      %dma_wait3A_73 = tpu.memref_slice %arg16[%add3A_12, %dma_wait3A_72] : memref<10112x128xf32, #tpu.memory_space<vmem_shared>> -> memref<128x128xf32, #tpu.memory_space<vmem_shared>>
      %dma_wait3A_74 = arith.constant 0 : i32
      %dma_wait3A_75 = tpu.memref_slice %arg16[%add3A_12, %dma_wait3A_74] : memref<10112x128xf32, #tpu.memory_space<vmem_shared>> -> memref<128x128xf32, #tpu.memory_space<vmem_shared>>
      %dma_wait3A_76 = arith.constant 0 : i32
      %dma_wait3A_77 = arith.constant 0 : i32
      %dma_wait3A_78 = tpu.memref_slice %arg14[%dma_wait3A_76, %dma_wait3A_77] : memref<128x128xf32, #tpu.memory_space<vmem>> -> memref<128x128xf32, #tpu.memory_space<vmem>>
      tpu.wait_dma2 semaphore(%run_scoped3A : memref<!tpu.dma_semaphore, #tpu.memory_space<semaphore_mem>>) src(%dma_wait3A_78 : memref<128x128xf32, #tpu.memory_space<vmem>>) dst(%dma_wait3A_75 : memref<128x128xf32, #tpu.memory_space<vmem_shared>>)
      tpu.yield
    }) : () -> ()
    %add3A_13 = arith.constant 128 : i32
    %add3A_14 = arith.addi %mul3A_7, %add3A_13 : i32
    "tpu.region"() ({
      %run_scoped3A = tpu.sem_alloc : memref<!tpu.dma_semaphore, #tpu.memory_space<semaphore_mem>>
      %dma_start3A = arith.constant 0 : i32
      %dma_start3A_61 = arith.constant 0 : i32
      %dma_start3A_62 = tpu.memref_slice %arg15[%dma_start3A, %dma_start3A_61] : memref<128x16xf32, #tpu.memory_space<vmem>> -> memref<128x16xf32, #tpu.memory_space<vmem>>
      %dma_start3A_63 = arith.constant 0 : i32
      %dma_start3A_64 = tpu.memref_slice %arg17[%add3A_14, %dma_start3A_63] : memref<10112x16xf32, #tpu.memory_space<vmem_shared>> -> memref<128x16xf32, #tpu.memory_space<vmem_shared>>
      %dma_start3A_65 = arith.constant 0 : i32
      %dma_start3A_66 = tpu.memref_slice %arg17[%add3A_14, %dma_start3A_65] : memref<10112x16xf32, #tpu.memory_space<vmem_shared>> -> memref<128x16xf32, #tpu.memory_space<vmem_shared>>
      %dma_start3A_67 = arith.constant 0 : i32
      %dma_start3A_68 = arith.constant 0 : i32
      %dma_start3A_69 = tpu.memref_slice %arg15[%dma_start3A_67, %dma_start3A_68] : memref<128x16xf32, #tpu.memory_space<vmem>> -> memref<128x16xf32, #tpu.memory_space<vmem>>
      tpu.enqueue_dma source(%dma_start3A_69 : memref<128x16xf32, #tpu.memory_space<vmem>>) target(%dma_start3A_66 : memref<128x16xf32, #tpu.memory_space<vmem_shared>>) target_semaphore(%run_scoped3A : memref<!tpu.dma_semaphore, #tpu.memory_space<semaphore_mem>>)
      %dma_wait3A = arith.constant 0 : i32
      %dma_wait3A_70 = arith.constant 0 : i32
      %dma_wait3A_71 = tpu.memref_slice %arg15[%dma_wait3A, %dma_wait3A_70] : memref<128x16xf32, #tpu.memory_space<vmem>> -> memref<128x16xf32, #tpu.memory_space<vmem>>
      %dma_wait3A_72 = arith.constant 0 : i32
      %dma_wait3A_73 = tpu.memref_slice %arg17[%add3A_14, %dma_wait3A_72] : memref<10112x16xf32, #tpu.memory_space<vmem_shared>> -> memref<128x16xf32, #tpu.memory_space<vmem_shared>>
      %dma_wait3A_74 = arith.constant 0 : i32
      %dma_wait3A_75 = tpu.memref_slice %arg17[%add3A_14, %dma_wait3A_74] : memref<10112x16xf32, #tpu.memory_space<vmem_shared>> -> memref<128x16xf32, #tpu.memory_space<vmem_shared>>
      %dma_wait3A_76 = arith.constant 0 : i32
      %dma_wait3A_77 = arith.constant 0 : i32
      %dma_wait3A_78 = tpu.memref_slice %arg15[%dma_wait3A_76, %dma_wait3A_77] : memref<128x16xf32, #tpu.memory_space<vmem>> -> memref<128x16xf32, #tpu.memory_space<vmem>>
      tpu.wait_dma2 semaphore(%run_scoped3A : memref<!tpu.dma_semaphore, #tpu.memory_space<semaphore_mem>>) src(%dma_wait3A_78 : memref<128x16xf32, #tpu.memory_space<vmem>>) dst(%dma_wait3A_75 : memref<128x16xf32, #tpu.memory_space<vmem_shared>>)
      tpu.yield
    }) : () -> ()
    %add3A_15 = arith.constant 256 : i32
    %add3A_16 = arith.addi %mul3A_7, %add3A_15 : i32
    "tpu.region"() ({
      %run_scoped3A = tpu.sem_alloc : memref<!tpu.dma_semaphore, #tpu.memory_space<semaphore_mem>>
      %dma_start3A = arith.constant 0 : i32
      %dma_start3A_61 = arith.constant 0 : i32
      %dma_start3A_62 = tpu.memref_slice %arg14[%dma_start3A, %dma_start3A_61] : memref<128x128xf32, #tpu.memory_space<vmem>> -> memref<128x128xf32, #tpu.memory_space<vmem>>
      %dma_start3A_63 = arith.constant 0 : i32
      %dma_start3A_64 = tpu.memref_slice %arg16[%add3A_16, %dma_start3A_63] : memref<10112x128xf32, #tpu.memory_space<vmem_shared>> -> memref<128x128xf32, #tpu.memory_space<vmem_shared>>
      %dma_start3A_65 = arith.constant 0 : i32
      %dma_start3A_66 = tpu.memref_slice %arg16[%add3A_16, %dma_start3A_65] : memref<10112x128xf32, #tpu.memory_space<vmem_shared>> -> memref<128x128xf32, #tpu.memory_space<vmem_shared>>
      %dma_start3A_67 = arith.constant 0 : i32
      %dma_start3A_68 = arith.constant 0 : i32
      %dma_start3A_69 = tpu.memref_slice %arg14[%dma_start3A_67, %dma_start3A_68] : memref<128x128xf32, #tpu.memory_space<vmem>> -> memref<128x128xf32, #tpu.memory_space<vmem>>
      tpu.enqueue_dma source(%dma_start3A_69 : memref<128x128xf32, #tpu.memory_space<vmem>>) target(%dma_start3A_66 : memref<128x128xf32, #tpu.memory_space<vmem_shared>>) target_semaphore(%run_scoped3A : memref<!tpu.dma_semaphore, #tpu.memory_space<semaphore_mem>>)
      %dma_wait3A = arith.constant 0 : i32
      %dma_wait3A_70 = arith.constant 0 : i32
      %dma_wait3A_71 = tpu.memref_slice %arg14[%dma_wait3A, %dma_wait3A_70] : memref<128x128xf32, #tpu.memory_space<vmem>> -> memref<128x128xf32, #tpu.memory_space<vmem>>
      %dma_wait3A_72 = arith.constant 0 : i32
      %dma_wait3A_73 = tpu.memref_slice %arg16[%add3A_16, %dma_wait3A_72] : memref<10112x128xf32, #tpu.memory_space<vmem_shared>> -> memref<128x128xf32, #tpu.memory_space<vmem_shared>>
      %dma_wait3A_74 = arith.constant 0 : i32
      %dma_wait3A_75 = tpu.memref_slice %arg16[%add3A_16, %dma_wait3A_74] : memref<10112x128xf32, #tpu.memory_space<vmem_shared>> -> memref<128x128xf32, #tpu.memory_space<vmem_shared>>
      %dma_wait3A_76 = arith.constant 0 : i32
      %dma_wait3A_77 = arith.constant 0 : i32
      %dma_wait3A_78 = tpu.memref_slice %arg14[%dma_wait3A_76, %dma_wait3A_77] : memref<128x128xf32, #tpu.memory_space<vmem>> -> memref<128x128xf32, #tpu.memory_space<vmem>>
      tpu.wait_dma2 semaphore(%run_scoped3A : memref<!tpu.dma_semaphore, #tpu.memory_space<semaphore_mem>>) src(%dma_wait3A_78 : memref<128x128xf32, #tpu.memory_space<vmem>>) dst(%dma_wait3A_75 : memref<128x128xf32, #tpu.memory_space<vmem_shared>>)
      tpu.yield
    }) : () -> ()
    %add3A_17 = arith.constant 256 : i32
    %add3A_18 = arith.addi %mul3A_7, %add3A_17 : i32
    "tpu.region"() ({
      %run_scoped3A = tpu.sem_alloc : memref<!tpu.dma_semaphore, #tpu.memory_space<semaphore_mem>>
      %dma_start3A = arith.constant 0 : i32
      %dma_start3A_61 = arith.constant 0 : i32
      %dma_start3A_62 = tpu.memref_slice %arg15[%dma_start3A, %dma_start3A_61] : memref<128x16xf32, #tpu.memory_space<vmem>> -> memref<128x16xf32, #tpu.memory_space<vmem>>
      %dma_start3A_63 = arith.constant 0 : i32
      %dma_start3A_64 = tpu.memref_slice %arg17[%add3A_18, %dma_start3A_63] : memref<10112x16xf32, #tpu.memory_space<vmem_shared>> -> memref<128x16xf32, #tpu.memory_space<vmem_shared>>
      %dma_start3A_65 = arith.constant 0 : i32
      %dma_start3A_66 = tpu.memref_slice %arg17[%add3A_18, %dma_start3A_65] : memref<10112x16xf32, #tpu.memory_space<vmem_shared>> -> memref<128x16xf32, #tpu.memory_space<vmem_shared>>
      %dma_start3A_67 = arith.constant 0 : i32
      %dma_start3A_68 = arith.constant 0 : i32
      %dma_start3A_69 = tpu.memref_slice %arg15[%dma_start3A_67, %dma_start3A_68] : memref<128x16xf32, #tpu.memory_space<vmem>> -> memref<128x16xf32, #tpu.memory_space<vmem>>
      tpu.enqueue_dma source(%dma_start3A_69 : memref<128x16xf32, #tpu.memory_space<vmem>>) target(%dma_start3A_66 : memref<128x16xf32, #tpu.memory_space<vmem_shared>>) target_semaphore(%run_scoped3A : memref<!tpu.dma_semaphore, #tpu.memory_space<semaphore_mem>>)
      %dma_wait3A = arith.constant 0 : i32
      %dma_wait3A_70 = arith.constant 0 : i32
      %dma_wait3A_71 = tpu.memref_slice %arg15[%dma_wait3A, %dma_wait3A_70] : memref<128x16xf32, #tpu.memory_space<vmem>> -> memref<128x16xf32, #tpu.memory_space<vmem>>
      %dma_wait3A_72 = arith.constant 0 : i32
      %dma_wait3A_73 = tpu.memref_slice %arg17[%add3A_18, %dma_wait3A_72] : memref<10112x16xf32, #tpu.memory_space<vmem_shared>> -> memref<128x16xf32, #tpu.memory_space<vmem_shared>>
      %dma_wait3A_74 = arith.constant 0 : i32
      %dma_wait3A_75 = tpu.memref_slice %arg17[%add3A_18, %dma_wait3A_74] : memref<10112x16xf32, #tpu.memory_space<vmem_shared>> -> memref<128x16xf32, #tpu.memory_space<vmem_shared>>
      %dma_wait3A_76 = arith.constant 0 : i32
      %dma_wait3A_77 = arith.constant 0 : i32
      %dma_wait3A_78 = tpu.memref_slice %arg15[%dma_wait3A_76, %dma_wait3A_77] : memref<128x16xf32, #tpu.memory_space<vmem>> -> memref<128x16xf32, #tpu.memory_space<vmem>>
      tpu.wait_dma2 semaphore(%run_scoped3A : memref<!tpu.dma_semaphore, #tpu.memory_space<semaphore_mem>>) src(%dma_wait3A_78 : memref<128x16xf32, #tpu.memory_space<vmem>>) dst(%dma_wait3A_75 : memref<128x16xf32, #tpu.memory_space<vmem_shared>>)
      tpu.yield
    }) : () -> ()
    %add3A_19 = arith.constant 384 : i32
    %add3A_20 = arith.addi %mul3A_7, %add3A_19 : i32
    "tpu.region"() ({
      %run_scoped3A = tpu.sem_alloc : memref<!tpu.dma_semaphore, #tpu.memory_space<semaphore_mem>>
      %dma_start3A = arith.constant 0 : i32
      %dma_start3A_61 = arith.constant 0 : i32
      %dma_start3A_62 = tpu.memref_slice %arg14[%dma_start3A, %dma_start3A_61] : memref<128x128xf32, #tpu.memory_space<vmem>> -> memref<128x128xf32, #tpu.memory_space<vmem>>
      %dma_start3A_63 = arith.constant 0 : i32
      %dma_start3A_64 = tpu.memref_slice %arg16[%add3A_20, %dma_start3A_63] : memref<10112x128xf32, #tpu.memory_space<vmem_shared>> -> memref<128x128xf32, #tpu.memory_space<vmem_shared>>
      %dma_start3A_65 = arith.constant 0 : i32
      %dma_start3A_66 = tpu.memref_slice %arg16[%add3A_20, %dma_start3A_65] : memref<10112x128xf32, #tpu.memory_space<vmem_shared>> -> memref<128x128xf32, #tpu.memory_space<vmem_shared>>
      %dma_start3A_67 = arith.constant 0 : i32
      %dma_start3A_68 = arith.constant 0 : i32
      %dma_start3A_69 = tpu.memref_slice %arg14[%dma_start3A_67, %dma_start3A_68] : memref<128x128xf32, #tpu.memory_space<vmem>> -> memref<128x128xf32, #tpu.memory_space<vmem>>
      tpu.enqueue_dma source(%dma_start3A_69 : memref<128x128xf32, #tpu.memory_space<vmem>>) target(%dma_start3A_66 : memref<128x128xf32, #tpu.memory_space<vmem_shared>>) target_semaphore(%run_scoped3A : memref<!tpu.dma_semaphore, #tpu.memory_space<semaphore_mem>>)
      %dma_wait3A = arith.constant 0 : i32
      %dma_wait3A_70 = arith.constant 0 : i32
      %dma_wait3A_71 = tpu.memref_slice %arg14[%dma_wait3A, %dma_wait3A_70] : memref<128x128xf32, #tpu.memory_space<vmem>> -> memref<128x128xf32, #tpu.memory_space<vmem>>
      %dma_wait3A_72 = arith.constant 0 : i32
      %dma_wait3A_73 = tpu.memref_slice %arg16[%add3A_20, %dma_wait3A_72] : memref<10112x128xf32, #tpu.memory_space<vmem_shared>> -> memref<128x128xf32, #tpu.memory_space<vmem_shared>>
      %dma_wait3A_74 = arith.constant 0 : i32
      %dma_wait3A_75 = tpu.memref_slice %arg16[%add3A_20, %dma_wait3A_74] : memref<10112x128xf32, #tpu.memory_space<vmem_shared>> -> memref<128x128xf32, #tpu.memory_space<vmem_shared>>
      %dma_wait3A_76 = arith.constant 0 : i32
      %dma_wait3A_77 = arith.constant 0 : i32
      %dma_wait3A_78 = tpu.memref_slice %arg14[%dma_wait3A_76, %dma_wait3A_77] : memref<128x128xf32, #tpu.memory_space<vmem>> -> memref<128x128xf32, #tpu.memory_space<vmem>>
      tpu.wait_dma2 semaphore(%run_scoped3A : memref<!tpu.dma_semaphore, #tpu.memory_space<semaphore_mem>>) src(%dma_wait3A_78 : memref<128x128xf32, #tpu.memory_space<vmem>>) dst(%dma_wait3A_75 : memref<128x128xf32, #tpu.memory_space<vmem_shared>>)
      tpu.yield
    }) : () -> ()
    %add3A_21 = arith.constant 384 : i32
    %add3A_22 = arith.addi %mul3A_7, %add3A_21 : i32
    "tpu.region"() ({
      %run_scoped3A = tpu.sem_alloc : memref<!tpu.dma_semaphore, #tpu.memory_space<semaphore_mem>>
      %dma_start3A = arith.constant 0 : i32
      %dma_start3A_61 = arith.constant 0 : i32
      %dma_start3A_62 = tpu.memref_slice %arg15[%dma_start3A, %dma_start3A_61] : memref<128x16xf32, #tpu.memory_space<vmem>> -> memref<128x16xf32, #tpu.memory_space<vmem>>
      %dma_start3A_63 = arith.constant 0 : i32
      %dma_start3A_64 = tpu.memref_slice %arg17[%add3A_22, %dma_start3A_63] : memref<10112x16xf32, #tpu.memory_space<vmem_shared>> -> memref<128x16xf32, #tpu.memory_space<vmem_shared>>
      %dma_start3A_65 = arith.constant 0 : i32
      %dma_start3A_66 = tpu.memref_slice %arg17[%add3A_22, %dma_start3A_65] : memref<10112x16xf32, #tpu.memory_space<vmem_shared>> -> memref<128x16xf32, #tpu.memory_space<vmem_shared>>
      %dma_start3A_67 = arith.constant 0 : i32
      %dma_start3A_68 = arith.constant 0 : i32
      %dma_start3A_69 = tpu.memref_slice %arg15[%dma_start3A_67, %dma_start3A_68] : memref<128x16xf32, #tpu.memory_space<vmem>> -> memref<128x16xf32, #tpu.memory_space<vmem>>
      tpu.enqueue_dma source(%dma_start3A_69 : memref<128x16xf32, #tpu.memory_space<vmem>>) target(%dma_start3A_66 : memref<128x16xf32, #tpu.memory_space<vmem_shared>>) target_semaphore(%run_scoped3A : memref<!tpu.dma_semaphore, #tpu.memory_space<semaphore_mem>>)
      %dma_wait3A = arith.constant 0 : i32
      %dma_wait3A_70 = arith.constant 0 : i32
      %dma_wait3A_71 = tpu.memref_slice %arg15[%dma_wait3A, %dma_wait3A_70] : memref<128x16xf32, #tpu.memory_space<vmem>> -> memref<128x16xf32, #tpu.memory_space<vmem>>
      %dma_wait3A_72 = arith.constant 0 : i32
      %dma_wait3A_73 = tpu.memref_slice %arg17[%add3A_22, %dma_wait3A_72] : memref<10112x16xf32, #tpu.memory_space<vmem_shared>> -> memref<128x16xf32, #tpu.memory_space<vmem_shared>>
      %dma_wait3A_74 = arith.constant 0 : i32
      %dma_wait3A_75 = tpu.memref_slice %arg17[%add3A_22, %dma_wait3A_74] : memref<10112x16xf32, #tpu.memory_space<vmem_shared>> -> memref<128x16xf32, #tpu.memory_space<vmem_shared>>
      %dma_wait3A_76 = arith.constant 0 : i32
      %dma_wait3A_77 = arith.constant 0 : i32
      %dma_wait3A_78 = tpu.memref_slice %arg15[%dma_wait3A_76, %dma_wait3A_77] : memref<128x16xf32, #tpu.memory_space<vmem>> -> memref<128x16xf32, #tpu.memory_space<vmem>>
      tpu.wait_dma2 semaphore(%run_scoped3A : memref<!tpu.dma_semaphore, #tpu.memory_space<semaphore_mem>>) src(%dma_wait3A_78 : memref<128x16xf32, #tpu.memory_space<vmem>>) dst(%dma_wait3A_75 : memref<128x16xf32, #tpu.memory_space<vmem_shared>>)
      tpu.yield
    }) : () -> ()
    %add3A_23 = arith.constant 512 : i32
    %add3A_24 = arith.addi %mul3A_7, %add3A_23 : i32
    "tpu.region"() ({
      %run_scoped3A = tpu.sem_alloc : memref<!tpu.dma_semaphore, #tpu.memory_space<semaphore_mem>>
      %dma_start3A = arith.constant 0 : i32
      %dma_start3A_61 = arith.constant 0 : i32
      %dma_start3A_62 = tpu.memref_slice %arg14[%dma_start3A, %dma_start3A_61] : memref<128x128xf32, #tpu.memory_space<vmem>> -> memref<120x128xf32, #tpu.memory_space<vmem>>
      %dma_start3A_63 = arith.constant 0 : i32
      %dma_start3A_64 = tpu.memref_slice %arg16[%add3A_24, %dma_start3A_63] : memref<10112x128xf32, #tpu.memory_space<vmem_shared>> -> memref<120x128xf32, #tpu.memory_space<vmem_shared>>
      %dma_start3A_65 = arith.constant 0 : i32
      %dma_start3A_66 = tpu.memref_slice %arg16[%add3A_24, %dma_start3A_65] : memref<10112x128xf32, #tpu.memory_space<vmem_shared>> -> memref<120x128xf32, #tpu.memory_space<vmem_shared>>
      %dma_start3A_67 = arith.constant 0 : i32
      %dma_start3A_68 = arith.constant 0 : i32
      %dma_start3A_69 = tpu.memref_slice %arg14[%dma_start3A_67, %dma_start3A_68] : memref<128x128xf32, #tpu.memory_space<vmem>> -> memref<120x128xf32, #tpu.memory_space<vmem>>
      tpu.enqueue_dma source(%dma_start3A_69 : memref<120x128xf32, #tpu.memory_space<vmem>>) target(%dma_start3A_66 : memref<120x128xf32, #tpu.memory_space<vmem_shared>>) target_semaphore(%run_scoped3A : memref<!tpu.dma_semaphore, #tpu.memory_space<semaphore_mem>>)
      %dma_wait3A = arith.constant 0 : i32
      %dma_wait3A_70 = arith.constant 0 : i32
      %dma_wait3A_71 = tpu.memref_slice %arg14[%dma_wait3A, %dma_wait3A_70] : memref<128x128xf32, #tpu.memory_space<vmem>> -> memref<120x128xf32, #tpu.memory_space<vmem>>
      %dma_wait3A_72 = arith.constant 0 : i32
      %dma_wait3A_73 = tpu.memref_slice %arg16[%add3A_24, %dma_wait3A_72] : memref<10112x128xf32, #tpu.memory_space<vmem_shared>> -> memref<120x128xf32, #tpu.memory_space<vmem_shared>>
      %dma_wait3A_74 = arith.constant 0 : i32
      %dma_wait3A_75 = tpu.memref_slice %arg16[%add3A_24, %dma_wait3A_74] : memref<10112x128xf32, #tpu.memory_space<vmem_shared>> -> memref<120x128xf32, #tpu.memory_space<vmem_shared>>
      %dma_wait3A_76 = arith.constant 0 : i32
      %dma_wait3A_77 = arith.constant 0 : i32
      %dma_wait3A_78 = tpu.memref_slice %arg14[%dma_wait3A_76, %dma_wait3A_77] : memref<128x128xf32, #tpu.memory_space<vmem>> -> memref<120x128xf32, #tpu.memory_space<vmem>>
      tpu.wait_dma2 semaphore(%run_scoped3A : memref<!tpu.dma_semaphore, #tpu.memory_space<semaphore_mem>>) src(%dma_wait3A_78 : memref<120x128xf32, #tpu.memory_space<vmem>>) dst(%dma_wait3A_75 : memref<120x128xf32, #tpu.memory_space<vmem_shared>>)
      tpu.yield
    }) : () -> ()
    %add3A_25 = arith.constant 512 : i32
    %add3A_26 = arith.addi %mul3A_7, %add3A_25 : i32
    "tpu.region"() ({
      %run_scoped3A = tpu.sem_alloc : memref<!tpu.dma_semaphore, #tpu.memory_space<semaphore_mem>>
      %dma_start3A = arith.constant 0 : i32
      %dma_start3A_61 = arith.constant 0 : i32
      %dma_start3A_62 = tpu.memref_slice %arg15[%dma_start3A, %dma_start3A_61] : memref<128x16xf32, #tpu.memory_space<vmem>> -> memref<120x16xf32, #tpu.memory_space<vmem>>
      %dma_start3A_63 = arith.constant 0 : i32
      %dma_start3A_64 = tpu.memref_slice %arg17[%add3A_26, %dma_start3A_63] : memref<10112x16xf32, #tpu.memory_space<vmem_shared>> -> memref<120x16xf32, #tpu.memory_space<vmem_shared>>
      %dma_start3A_65 = arith.constant 0 : i32
      %dma_start3A_66 = tpu.memref_slice %arg17[%add3A_26, %dma_start3A_65] : memref<10112x16xf32, #tpu.memory_space<vmem_shared>> -> memref<120x16xf32, #tpu.memory_space<vmem_shared>>
      %dma_start3A_67 = arith.constant 0 : i32
      %dma_start3A_68 = arith.constant 0 : i32
      %dma_start3A_69 = tpu.memref_slice %arg15[%dma_start3A_67, %dma_start3A_68] : memref<128x16xf32, #tpu.memory_space<vmem>> -> memref<120x16xf32, #tpu.memory_space<vmem>>
      tpu.enqueue_dma source(%dma_start3A_69 : memref<120x16xf32, #tpu.memory_space<vmem>>) target(%dma_start3A_66 : memref<120x16xf32, #tpu.memory_space<vmem_shared>>) target_semaphore(%run_scoped3A : memref<!tpu.dma_semaphore, #tpu.memory_space<semaphore_mem>>)
      %dma_wait3A = arith.constant 0 : i32
      %dma_wait3A_70 = arith.constant 0 : i32
      %dma_wait3A_71 = tpu.memref_slice %arg15[%dma_wait3A, %dma_wait3A_70] : memref<128x16xf32, #tpu.memory_space<vmem>> -> memref<120x16xf32, #tpu.memory_space<vmem>>
      %dma_wait3A_72 = arith.constant 0 : i32
      %dma_wait3A_73 = tpu.memref_slice %arg17[%add3A_26, %dma_wait3A_72] : memref<10112x16xf32, #tpu.memory_space<vmem_shared>> -> memref<120x16xf32, #tpu.memory_space<vmem_shared>>
      %dma_wait3A_74 = arith.constant 0 : i32
      %dma_wait3A_75 = tpu.memref_slice %arg17[%add3A_26, %dma_wait3A_74] : memref<10112x16xf32, #tpu.memory_space<vmem_shared>> -> memref<120x16xf32, #tpu.memory_space<vmem_shared>>
      %dma_wait3A_76 = arith.constant 0 : i32
      %dma_wait3A_77 = arith.constant 0 : i32
      %dma_wait3A_78 = tpu.memref_slice %arg15[%dma_wait3A_76, %dma_wait3A_77] : memref<128x16xf32, #tpu.memory_space<vmem>> -> memref<120x16xf32, #tpu.memory_space<vmem>>
      tpu.wait_dma2 semaphore(%run_scoped3A : memref<!tpu.dma_semaphore, #tpu.memory_space<semaphore_mem>>) src(%dma_wait3A_78 : memref<120x16xf32, #tpu.memory_space<vmem>>) dst(%dma_wait3A_75 : memref<120x16xf32, #tpu.memory_space<vmem_shared>>)
      tpu.yield
    }) : () -> ()
    %barrier3A = arith.constant 0 : index
    tpu.barrier barrier_id(%barrier3A)
    %mul3A_27 = arith.constant 10000 : i32
    %mul3A_28 = arith.muli %arg0, %mul3A_27 : i32
    %scan3A_29 = arith.constant 0 : i32
    %scan3A_30 = arith.constant 0 : i32
    %scan3A_31 = arith.constant 79 : i32
    %scan3A_32 = arith.addi %scan3A_30, %scan3A_31 : i32
    %scan3A_33 = arith.constant 1 : i32
    %scan3A_34 = scf.for %scan3A_61 = %scan3A_30 to %scan3A_32 step %scan3A_33 iter_args(%scan3A_62 = %scan3A_29) -> (i32)  : i32 {
      %mul3A_63 = arith.constant 10112 : i32
      %mul3A_64 = arith.muli %arg1, %mul3A_63 : i32
      %mul3A_65 = arith.constant 128 : i32
      %mul3A_66 = arith.muli %scan3A_61, %mul3A_65 : i32
      %add3A_67 = arith.addi %mul3A_64, %mul3A_66 : i32
      "tpu.region"() ({
        %run_scoped3A = tpu.sem_alloc : memref<!tpu.dma_semaphore, #tpu.memory_space<semaphore_mem>>
        %dma_start3A_368 = tpu.memref_slice %arg2[%add3A_67] : memref<161792xi32, #tpu.memory_space<hbm>> -> memref<128xi32, #tpu.memory_space<hbm>>
        %dma_start3A_369 = tpu.memref_slice %arg2[%add3A_67] : memref<161792xi32, #tpu.memory_space<hbm>> -> memref<128xi32, #tpu.memory_space<hbm>>
        tpu.enqueue_dma source(%dma_start3A_369 : memref<128xi32, #tpu.memory_space<hbm>>) target(%arg11 : memref<128xi32, #tpu.memory_space<vmem>>) target_semaphore(%run_scoped3A : memref<!tpu.dma_semaphore, #tpu.memory_space<semaphore_mem>>)
        %dma_wait3A_370 = tpu.memref_slice %arg2[%add3A_67] : memref<161792xi32, #tpu.memory_space<hbm>> -> memref<128xi32, #tpu.memory_space<hbm>>
        %dma_wait3A_371 = tpu.memref_slice %arg2[%add3A_67] : memref<161792xi32, #tpu.memory_space<hbm>> -> memref<128xi32, #tpu.memory_space<hbm>>
        tpu.wait_dma2 semaphore(%run_scoped3A : memref<!tpu.dma_semaphore, #tpu.memory_space<semaphore_mem>>) src(%dma_wait3A_371 : memref<128xi32, #tpu.memory_space<hbm>>) dst(%arg11 : memref<128xi32, #tpu.memory_space<vmem>>)
        tpu.yield
      }) : () -> ()
      "tpu.region"() ({
        %run_scoped3A = tpu.sem_alloc : memref<!tpu.dma_semaphore, #tpu.memory_space<semaphore_mem>>
        %dma_start3A_368 = tpu.memref_slice %arg3[%add3A_67] : memref<161792xi32, #tpu.memory_space<hbm>> -> memref<128xi32, #tpu.memory_space<hbm>>
        %dma_start3A_369 = tpu.memref_slice %arg3[%add3A_67] : memref<161792xi32, #tpu.memory_space<hbm>> -> memref<128xi32, #tpu.memory_space<hbm>>
        tpu.enqueue_dma source(%dma_start3A_369 : memref<128xi32, #tpu.memory_space<hbm>>) target(%arg12 : memref<128xi32, #tpu.memory_space<vmem>>) target_semaphore(%run_scoped3A : memref<!tpu.dma_semaphore, #tpu.memory_space<semaphore_mem>>)
        %dma_wait3A_370 = tpu.memref_slice %arg3[%add3A_67] : memref<161792xi32, #tpu.memory_space<hbm>> -> memref<128xi32, #tpu.memory_space<hbm>>
        %dma_wait3A_371 = tpu.memref_slice %arg3[%add3A_67] : memref<161792xi32, #tpu.memory_space<hbm>> -> memref<128xi32, #tpu.memory_space<hbm>>
        tpu.wait_dma2 semaphore(%run_scoped3A : memref<!tpu.dma_semaphore, #tpu.memory_space<semaphore_mem>>) src(%dma_wait3A_371 : memref<128xi32, #tpu.memory_space<hbm>>) dst(%arg12 : memref<128xi32, #tpu.memory_space<vmem>>)
        tpu.yield
      }) : () -> ()
      %get3A = arith.constant 0 : index
      %get3A_68 = tpu.vector_load %arg11[%get3A] {strides = array<i32>} : memref<128xi32, #tpu.memory_space<vmem>>, vector<16xi32>,
      %get3A_69 = arith.constant 0 : index
      %get3A_70 = tpu.vector_load %arg12[%get3A_69] {strides = array<i32>} : memref<128xi32, #tpu.memory_space<vmem>>, vector<16xi32>,
      %gather3A = tpu.vector_load_idx %arg9[%get3A_68] : memref<10000xf32, #tpu.memory_space<vmem>>[vector<16xi32>], vector<16xf32>,
      %gather3A_71 = tpu.vector_load_idx %arg10[%get3A_70] : memref<10000xf32, #tpu.memory_space<vmem>>[vector<16xi32>], vector<16xf32>,
      %add3A_72 = arith.addf %gather3A, %gather3A_71 : vector<16xf32>
      %gt3A = arith.constant 0.000000e+00 : f32
      %gt3A_73 = vector.broadcast %gt3A : f32 to vector<16xf32>
      %gt3A_74 = arith.cmpf ogt, %add3A_72, %gt3A_73 : vector<16xf32>
      %mul3A_75 = arith.constant 2.000000e-01 : f32
      %mul3A_76 = vector.broadcast %mul3A_75 : f32 to vector<16xf32>
      %mul3A_77 = arith.mulf %mul3A_76, %add3A_72 : vector<16xf32>
      %select_n3A = arith.select %gt3A_74, %add3A_72, %mul3A_77 : vector<16xi1>, vector<16xf32>
      %exp3A = math.exp %select_n3A : vector<16xf32>
      %add3A_78 = arith.constant 0 : i32
      %add3A_79 = arith.addi %add3A_67, %add3A_78 : i32
      %add3A_80 = vector.broadcast %add3A_79 : i32 to vector<16xi32>
      %add3A_81 = arith.addi %add3A_80, %iota3A : vector<16xi32>
      %lt3A = arith.constant 160000 : i32
      %lt3A_82 = vector.broadcast %lt3A : i32 to vector<16xi32>
      %lt3A_83 = arith.cmpi slt, %add3A_81, %lt3A_82 : vector<16xi32>
      %jit3A = arith.constant 0.000000e+00 : f32
      %broadcast_in_dim3A_84 = vector.broadcast %jit3A : f32 to vector<16xf32>
      %select_n3A_85 = arith.select %lt3A_83, %exp3A, %broadcast_in_dim3A_84 : vector<16xi1>, vector<16xf32>
      %swap3A = arith.constant 0 : index
      %swap3A_86 = tpu.vector_load %arg13[%swap3A] {strides = array<i32>} : memref<128xf32, #tpu.memory_space<vmem>>, vector<16xf32>,
      tpu.vector_store %arg13[%swap3A], %select_n3A_85 {strides = array<i32>} : memref<128xf32, #tpu.memory_space<vmem>>, vector<16xf32>,
      %add3A_87 = arith.constant 0 : i32
      %add3A_88 = vector.broadcast %add3A_87 : i32 to vector<16xi32>
      %add3A_89 = arith.addi %add3A_88, %iota3A : vector<16xi32>
      %mul3A_90 = arith.constant 0 : i32
      %mul3A_91 = vector.broadcast %mul3A_90 : i32 to vector<16xi32>
      %mul3A_92 = arith.muli %iota3A, %mul3A_91 : vector<16xi32>
      tpu.vector_store_idx %arg15[%add3A_89, %mul3A_92], %select_n3A_85 : memref<128x16xf32, #tpu.memory_space<vmem>>[vector<16xi32>, vector<16xi32>], vector<16xf32>,
      %add3A_93 = vector.broadcast %mul3A_28 : i32 to vector<16xi32>
      %add3A_94 = arith.addi %get3A_70, %add3A_93 : vector<16xi32>
      %swap3A_95 = arith.constant 0 : index
      %swap3A_96 = tpu.vector_load %arg12[%swap3A_95] {strides = array<i32>} : memref<128xi32, #tpu.memory_space<vmem>>, vector<16xi32>,
      tpu.vector_store %arg12[%swap3A_95], %add3A_94 {strides = array<i32>} : memref<128xi32, #tpu.memory_space<vmem>>, vector<16xi32>,
      %get3A_97 = arith.constant 16 : index
      %get3A_98 = tpu.vector_load %arg11[%get3A_97] {strides = array<i32>} : memref<128xi32, #tpu.memory_space<vmem>>, vector<16xi32>,
      %get3A_99 = arith.constant 16 : index
      %get3A_100 = tpu.vector_load %arg12[%get3A_99] {strides = array<i32>} : memref<128xi32, #tpu.memory_space<vmem>>, vector<16xi32>,
      %gather3A_101 = tpu.vector_load_idx %arg9[%get3A_98] : memref<10000xf32, #tpu.memory_space<vmem>>[vector<16xi32>], vector<16xf32>,
      %gather3A_102 = tpu.vector_load_idx %arg10[%get3A_100] : memref<10000xf32, #tpu.memory_space<vmem>>[vector<16xi32>], vector<16xf32>,
      %add3A_103 = arith.addf %gather3A_101, %gather3A_102 : vector<16xf32>
      %gt3A_104 = arith.constant 0.000000e+00 : f32
      %gt3A_105 = vector.broadcast %gt3A_104 : f32 to vector<16xf32>
      %gt3A_106 = arith.cmpf ogt, %add3A_103, %gt3A_105 : vector<16xf32>
      %mul3A_107 = arith.constant 2.000000e-01 : f32
      %mul3A_108 = vector.broadcast %mul3A_107 : f32 to vector<16xf32>
      %mul3A_109 = arith.mulf %mul3A_108, %add3A_103 : vector<16xf32>
      %select_n3A_110 = arith.select %gt3A_106, %add3A_103, %mul3A_109 : vector<16xi1>, vector<16xf32>
      %exp3A_111 = math.exp %select_n3A_110 : vector<16xf32>
      %add3A_112 = arith.constant 16 : i32
      %add3A_113 = arith.addi %add3A_67, %add3A_112 : i32
      %add3A_114 = vector.broadcast %add3A_113 : i32 to vector<16xi32>
      %add3A_115 = arith.addi %add3A_114, %iota3A : vector<16xi32>
      %lt3A_116 = arith.constant 160000 : i32
      %lt3A_117 = vector.broadcast %lt3A_116 : i32 to vector<16xi32>
      %lt3A_118 = arith.cmpi slt, %add3A_115, %lt3A_117 : vector<16xi32>
      %jit3A_119 = arith.constant 0.000000e+00 : f32
      %broadcast_in_dim3A_120 = vector.broadcast %jit3A_119 : f32 to vector<16xf32>
      %select_n3A_121 = arith.select %lt3A_118, %exp3A_111, %broadcast_in_dim3A_120 : vector<16xi1>, vector<16xf32>
      %swap3A_122 = arith.constant 16 : index
      %swap3A_123 = tpu.vector_load %arg13[%swap3A_122] {strides = array<i32>} : memref<128xf32, #tpu.memory_space<vmem>>, vector<16xf32>,
      tpu.vector_store %arg13[%swap3A_122], %select_n3A_121 {strides = array<i32>} : memref<128xf32, #tpu.memory_space<vmem>>, vector<16xf32>,
      %add3A_124 = arith.constant 16 : i32
      %add3A_125 = vector.broadcast %add3A_124 : i32 to vector<16xi32>
      %add3A_126 = arith.addi %add3A_125, %iota3A : vector<16xi32>
      %mul3A_127 = arith.constant 0 : i32
      %mul3A_128 = vector.broadcast %mul3A_127 : i32 to vector<16xi32>
      %mul3A_129 = arith.muli %iota3A, %mul3A_128 : vector<16xi32>
      tpu.vector_store_idx %arg15[%add3A_126, %mul3A_129], %select_n3A_121 : memref<128x16xf32, #tpu.memory_space<vmem>>[vector<16xi32>, vector<16xi32>], vector<16xf32>,
      %add3A_130 = vector.broadcast %mul3A_28 : i32 to vector<16xi32>
      %add3A_131 = arith.addi %get3A_100, %add3A_130 : vector<16xi32>
      %swap3A_132 = arith.constant 16 : index
      %swap3A_133 = tpu.vector_load %arg12[%swap3A_132] {strides = array<i32>} : memref<128xi32, #tpu.memory_space<vmem>>, vector<16xi32>,
      tpu.vector_store %arg12[%swap3A_132], %add3A_131 {strides = array<i32>} : memref<128xi32, #tpu.memory_space<vmem>>, vector<16xi32>,
      %get3A_134 = arith.constant 32 : index
      %get3A_135 = tpu.vector_load %arg11[%get3A_134] {strides = array<i32>} : memref<128xi32, #tpu.memory_space<vmem>>, vector<16xi32>,
      %get3A_136 = arith.constant 32 : index
      %get3A_137 = tpu.vector_load %arg12[%get3A_136] {strides = array<i32>} : memref<128xi32, #tpu.memory_space<vmem>>, vector<16xi32>,
      %gather3A_138 = tpu.vector_load_idx %arg9[%get3A_135] : memref<10000xf32, #tpu.memory_space<vmem>>[vector<16xi32>], vector<16xf32>,
      %gather3A_139 = tpu.vector_load_idx %arg10[%get3A_137] : memref<10000xf32, #tpu.memory_space<vmem>>[vector<16xi32>], vector<16xf32>,
      %add3A_140 = arith.addf %gather3A_138, %gather3A_139 : vector<16xf32>
      %gt3A_141 = arith.constant 0.000000e+00 : f32
      %gt3A_142 = vector.broadcast %gt3A_141 : f32 to vector<16xf32>
      %gt3A_143 = arith.cmpf ogt, %add3A_140, %gt3A_142 : vector<16xf32>
      %mul3A_144 = arith.constant 2.000000e-01 : f32
      %mul3A_145 = vector.broadcast %mul3A_144 : f32 to vector<16xf32>
      %mul3A_146 = arith.mulf %mul3A_145, %add3A_140 : vector<16xf32>
      %select_n3A_147 = arith.select %gt3A_143, %add3A_140, %mul3A_146 : vector<16xi1>, vector<16xf32>
      %exp3A_148 = math.exp %select_n3A_147 : vector<16xf32>
      %add3A_149 = arith.constant 32 : i32
      %add3A_150 = arith.addi %add3A_67, %add3A_149 : i32
      %add3A_151 = vector.broadcast %add3A_150 : i32 to vector<16xi32>
      %add3A_152 = arith.addi %add3A_151, %iota3A : vector<16xi32>
      %lt3A_153 = arith.constant 160000 : i32
      %lt3A_154 = vector.broadcast %lt3A_153 : i32 to vector<16xi32>
      %lt3A_155 = arith.cmpi slt, %add3A_152, %lt3A_154 : vector<16xi32>
      %jit3A_156 = arith.constant 0.000000e+00 : f32
      %broadcast_in_dim3A_157 = vector.broadcast %jit3A_156 : f32 to vector<16xf32>
      %select_n3A_158 = arith.select %lt3A_155, %exp3A_148, %broadcast_in_dim3A_157 : vector<16xi1>, vector<16xf32>
      %swap3A_159 = arith.constant 32 : index
      %swap3A_160 = tpu.vector_load %arg13[%swap3A_159] {strides = array<i32>} : memref<128xf32, #tpu.memory_space<vmem>>, vector<16xf32>,
      tpu.vector_store %arg13[%swap3A_159], %select_n3A_158 {strides = array<i32>} : memref<128xf32, #tpu.memory_space<vmem>>, vector<16xf32>,
      %add3A_161 = arith.constant 32 : i32
      %add3A_162 = vector.broadcast %add3A_161 : i32 to vector<16xi32>
      %add3A_163 = arith.addi %add3A_162, %iota3A : vector<16xi32>
      %mul3A_164 = arith.constant 0 : i32
      %mul3A_165 = vector.broadcast %mul3A_164 : i32 to vector<16xi32>
      %mul3A_166 = arith.muli %iota3A, %mul3A_165 : vector<16xi32>
      tpu.vector_store_idx %arg15[%add3A_163, %mul3A_166], %select_n3A_158 : memref<128x16xf32, #tpu.memory_space<vmem>>[vector<16xi32>, vector<16xi32>], vector<16xf32>,
      %add3A_167 = vector.broadcast %mul3A_28 : i32 to vector<16xi32>
      %add3A_168 = arith.addi %get3A_137, %add3A_167 : vector<16xi32>
      %swap3A_169 = arith.constant 32 : index
      %swap3A_170 = tpu.vector_load %arg12[%swap3A_169] {strides = array<i32>} : memref<128xi32, #tpu.memory_space<vmem>>, vector<16xi32>,
      tpu.vector_store %arg12[%swap3A_169], %add3A_168 {strides = array<i32>} : memref<128xi32, #tpu.memory_space<vmem>>, vector<16xi32>,
      %get3A_171 = arith.constant 48 : index
      %get3A_172 = tpu.vector_load %arg11[%get3A_171] {strides = array<i32>} : memref<128xi32, #tpu.memory_space<vmem>>, vector<16xi32>,
      %get3A_173 = arith.constant 48 : index
      %get3A_174 = tpu.vector_load %arg12[%get3A_173] {strides = array<i32>} : memref<128xi32, #tpu.memory_space<vmem>>, vector<16xi32>,
      %gather3A_175 = tpu.vector_load_idx %arg9[%get3A_172] : memref<10000xf32, #tpu.memory_space<vmem>>[vector<16xi32>], vector<16xf32>,
      %gather3A_176 = tpu.vector_load_idx %arg10[%get3A_174] : memref<10000xf32, #tpu.memory_space<vmem>>[vector<16xi32>], vector<16xf32>,
      %add3A_177 = arith.addf %gather3A_175, %gather3A_176 : vector<16xf32>
      %gt3A_178 = arith.constant 0.000000e+00 : f32
      %gt3A_179 = vector.broadcast %gt3A_178 : f32 to vector<16xf32>
      %gt3A_180 = arith.cmpf ogt, %add3A_177, %gt3A_179 : vector<16xf32>
      %mul3A_181 = arith.constant 2.000000e-01 : f32
      %mul3A_182 = vector.broadcast %mul3A_181 : f32 to vector<16xf32>
      %mul3A_183 = arith.mulf %mul3A_182, %add3A_177 : vector<16xf32>
      %select_n3A_184 = arith.select %gt3A_180, %add3A_177, %mul3A_183 : vector<16xi1>, vector<16xf32>
      %exp3A_185 = math.exp %select_n3A_184 : vector<16xf32>
      %add3A_186 = arith.constant 48 : i32
      %add3A_187 = arith.addi %add3A_67, %add3A_186 : i32
      %add3A_188 = vector.broadcast %add3A_187 : i32 to vector<16xi32>
      %add3A_189 = arith.addi %add3A_188, %iota3A : vector<16xi32>
      %lt3A_190 = arith.constant 160000 : i32
      %lt3A_191 = vector.broadcast %lt3A_190 : i32 to vector<16xi32>
      %lt3A_192 = arith.cmpi slt, %add3A_189, %lt3A_191 : vector<16xi32>
      %jit3A_193 = arith.constant 0.000000e+00 : f32
      %broadcast_in_dim3A_194 = vector.broadcast %jit3A_193 : f32 to vector<16xf32>
      %select_n3A_195 = arith.select %lt3A_192, %exp3A_185, %broadcast_in_dim3A_194 : vector<16xi1>, vector<16xf32>
      %swap3A_196 = arith.constant 48 : index
      %swap3A_197 = tpu.vector_load %arg13[%swap3A_196] {strides = array<i32>} : memref<128xf32, #tpu.memory_space<vmem>>, vector<16xf32>,
      tpu.vector_store %arg13[%swap3A_196], %select_n3A_195 {strides = array<i32>} : memref<128xf32, #tpu.memory_space<vmem>>, vector<16xf32>,
      %add3A_198 = arith.constant 48 : i32
      %add3A_199 = vector.broadcast %add3A_198 : i32 to vector<16xi32>
      %add3A_200 = arith.addi %add3A_199, %iota3A : vector<16xi32>
      %mul3A_201 = arith.constant 0 : i32
      %mul3A_202 = vector.broadcast %mul3A_201 : i32 to vector<16xi32>
      %mul3A_203 = arith.muli %iota3A, %mul3A_202 : vector<16xi32>
      tpu.vector_store_idx %arg15[%add3A_200, %mul3A_203], %select_n3A_195 : memref<128x16xf32, #tpu.memory_space<vmem>>[vector<16xi32>, vector<16xi32>], vector<16xf32>,
      %add3A_204 = vector.broadcast %mul3A_28 : i32 to vector<16xi32>
      %add3A_205 = arith.addi %get3A_174, %add3A_204 : vector<16xi32>
      %swap3A_206 = arith.constant 48 : index
      %swap3A_207 = tpu.vector_load %arg12[%swap3A_206] {strides = array<i32>} : memref<128xi32, #tpu.memory_space<vmem>>, vector<16xi32>,
      tpu.vector_store %arg12[%swap3A_206], %add3A_205 {strides = array<i32>} : memref<128xi32, #tpu.memory_space<vmem>>, vector<16xi32>,
      %get3A_208 = arith.constant 64 : index
      %get3A_209 = tpu.vector_load %arg11[%get3A_208] {strides = array<i32>} : memref<128xi32, #tpu.memory_space<vmem>>, vector<16xi32>,
      %get3A_210 = arith.constant 64 : index
      %get3A_211 = tpu.vector_load %arg12[%get3A_210] {strides = array<i32>} : memref<128xi32, #tpu.memory_space<vmem>>, vector<16xi32>,
      %gather3A_212 = tpu.vector_load_idx %arg9[%get3A_209] : memref<10000xf32, #tpu.memory_space<vmem>>[vector<16xi32>], vector<16xf32>,
      %gather3A_213 = tpu.vector_load_idx %arg10[%get3A_211] : memref<10000xf32, #tpu.memory_space<vmem>>[vector<16xi32>], vector<16xf32>,
      %add3A_214 = arith.addf %gather3A_212, %gather3A_213 : vector<16xf32>
      %gt3A_215 = arith.constant 0.000000e+00 : f32
      %gt3A_216 = vector.broadcast %gt3A_215 : f32 to vector<16xf32>
      %gt3A_217 = arith.cmpf ogt, %add3A_214, %gt3A_216 : vector<16xf32>
      %mul3A_218 = arith.constant 2.000000e-01 : f32
      %mul3A_219 = vector.broadcast %mul3A_218 : f32 to vector<16xf32>
      %mul3A_220 = arith.mulf %mul3A_219, %add3A_214 : vector<16xf32>
      %select_n3A_221 = arith.select %gt3A_217, %add3A_214, %mul3A_220 : vector<16xi1>, vector<16xf32>
      %exp3A_222 = math.exp %select_n3A_221 : vector<16xf32>
      %add3A_223 = arith.constant 64 : i32
      %add3A_224 = arith.addi %add3A_67, %add3A_223 : i32
      %add3A_225 = vector.broadcast %add3A_224 : i32 to vector<16xi32>
      %add3A_226 = arith.addi %add3A_225, %iota3A : vector<16xi32>
      %lt3A_227 = arith.constant 160000 : i32
      %lt3A_228 = vector.broadcast %lt3A_227 : i32 to vector<16xi32>
      %lt3A_229 = arith.cmpi slt, %add3A_226, %lt3A_228 : vector<16xi32>
      %jit3A_230 = arith.constant 0.000000e+00 : f32
      %broadcast_in_dim3A_231 = vector.broadcast %jit3A_230 : f32 to vector<16xf32>
      %select_n3A_232 = arith.select %lt3A_229, %exp3A_222, %broadcast_in_dim3A_231 : vector<16xi1>, vector<16xf32>
      %swap3A_233 = arith.constant 64 : index
      %swap3A_234 = tpu.vector_load %arg13[%swap3A_233] {strides = array<i32>} : memref<128xf32, #tpu.memory_space<vmem>>, vector<16xf32>,
      tpu.vector_store %arg13[%swap3A_233], %select_n3A_232 {strides = array<i32>} : memref<128xf32, #tpu.memory_space<vmem>>, vector<16xf32>,
      %add3A_235 = arith.constant 64 : i32
      %add3A_236 = vector.broadcast %add3A_235 : i32 to vector<16xi32>
      %add3A_237 = arith.addi %add3A_236, %iota3A : vector<16xi32>
      %mul3A_238 = arith.constant 0 : i32
      %mul3A_239 = vector.broadcast %mul3A_238 : i32 to vector<16xi32>
      %mul3A_240 = arith.muli %iota3A, %mul3A_239 : vector<16xi32>
      tpu.vector_store_idx %arg15[%add3A_237, %mul3A_240], %select_n3A_232 : memref<128x16xf32, #tpu.memory_space<vmem>>[vector<16xi32>, vector<16xi32>], vector<16xf32>,
      %add3A_241 = vector.broadcast %mul3A_28 : i32 to vector<16xi32>
      %add3A_242 = arith.addi %get3A_211, %add3A_241 : vector<16xi32>
      %swap3A_243 = arith.constant 64 : index
      %swap3A_244 = tpu.vector_load %arg12[%swap3A_243] {strides = array<i32>} : memref<128xi32, #tpu.memory_space<vmem>>, vector<16xi32>,
      tpu.vector_store %arg12[%swap3A_243], %add3A_242 {strides = array<i32>} : memref<128xi32, #tpu.memory_space<vmem>>, vector<16xi32>,
      %get3A_245 = arith.constant 80 : index
      %get3A_246 = tpu.vector_load %arg11[%get3A_245] {strides = array<i32>} : memref<128xi32, #tpu.memory_space<vmem>>, vector<16xi32>,
      %get3A_247 = arith.constant 80 : index
      %get3A_248 = tpu.vector_load %arg12[%get3A_247] {strides = array<i32>} : memref<128xi32, #tpu.memory_space<vmem>>, vector<16xi32>,
      %gather3A_249 = tpu.vector_load_idx %arg9[%get3A_246] : memref<10000xf32, #tpu.memory_space<vmem>>[vector<16xi32>], vector<16xf32>,
      %gather3A_250 = tpu.vector_load_idx %arg10[%get3A_248] : memref<10000xf32, #tpu.memory_space<vmem>>[vector<16xi32>], vector<16xf32>,
      %add3A_251 = arith.addf %gather3A_249, %gather3A_250 : vector<16xf32>
      %gt3A_252 = arith.constant 0.000000e+00 : f32
      %gt3A_253 = vector.broadcast %gt3A_252 : f32 to vector<16xf32>
      %gt3A_254 = arith.cmpf ogt, %add3A_251, %gt3A_253 : vector<16xf32>
      %mul3A_255 = arith.constant 2.000000e-01 : f32
      %mul3A_256 = vector.broadcast %mul3A_255 : f32 to vector<16xf32>
      %mul3A_257 = arith.mulf %mul3A_256, %add3A_251 : vector<16xf32>
      %select_n3A_258 = arith.select %gt3A_254, %add3A_251, %mul3A_257 : vector<16xi1>, vector<16xf32>
      %exp3A_259 = math.exp %select_n3A_258 : vector<16xf32>
      %add3A_260 = arith.constant 80 : i32
      %add3A_261 = arith.addi %add3A_67, %add3A_260 : i32
      %add3A_262 = vector.broadcast %add3A_261 : i32 to vector<16xi32>
      %add3A_263 = arith.addi %add3A_262, %iota3A : vector<16xi32>
      %lt3A_264 = arith.constant 160000 : i32
      %lt3A_265 = vector.broadcast %lt3A_264 : i32 to vector<16xi32>
      %lt3A_266 = arith.cmpi slt, %add3A_263, %lt3A_265 : vector<16xi32>
      %jit3A_267 = arith.constant 0.000000e+00 : f32
      %broadcast_in_dim3A_268 = vector.broadcast %jit3A_267 : f32 to vector<16xf32>
      %select_n3A_269 = arith.select %lt3A_266, %exp3A_259, %broadcast_in_dim3A_268 : vector<16xi1>, vector<16xf32>
      %swap3A_270 = arith.constant 80 : index
      %swap3A_271 = tpu.vector_load %arg13[%swap3A_270] {strides = array<i32>} : memref<128xf32, #tpu.memory_space<vmem>>, vector<16xf32>,
      tpu.vector_store %arg13[%swap3A_270], %select_n3A_269 {strides = array<i32>} : memref<128xf32, #tpu.memory_space<vmem>>, vector<16xf32>,
      %add3A_272 = arith.constant 80 : i32
      %add3A_273 = vector.broadcast %add3A_272 : i32 to vector<16xi32>
      %add3A_274 = arith.addi %add3A_273, %iota3A : vector<16xi32>
      %mul3A_275 = arith.constant 0 : i32
      %mul3A_276 = vector.broadcast %mul3A_275 : i32 to vector<16xi32>
      %mul3A_277 = arith.muli %iota3A, %mul3A_276 : vector<16xi32>
      tpu.vector_store_idx %arg15[%add3A_274, %mul3A_277], %select_n3A_269 : memref<128x16xf32, #tpu.memory_space<vmem>>[vector<16xi32>, vector<16xi32>], vector<16xf32>,
      %add3A_278 = vector.broadcast %mul3A_28 : i32 to vector<16xi32>
      %add3A_279 = arith.addi %get3A_248, %add3A_278 : vector<16xi32>
      %swap3A_280 = arith.constant 80 : index
      %swap3A_281 = tpu.vector_load %arg12[%swap3A_280] {strides = array<i32>} : memref<128xi32, #tpu.memory_space<vmem>>, vector<16xi32>,
      tpu.vector_store %arg12[%swap3A_280], %add3A_279 {strides = array<i32>} : memref<128xi32, #tpu.memory_space<vmem>>, vector<16xi32>,
      %get3A_282 = arith.constant 96 : index
      %get3A_283 = tpu.vector_load %arg11[%get3A_282] {strides = array<i32>} : memref<128xi32, #tpu.memory_space<vmem>>, vector<16xi32>,
      %get3A_284 = arith.constant 96 : index
      %get3A_285 = tpu.vector_load %arg12[%get3A_284] {strides = array<i32>} : memref<128xi32, #tpu.memory_space<vmem>>, vector<16xi32>,
      %gather3A_286 = tpu.vector_load_idx %arg9[%get3A_283] : memref<10000xf32, #tpu.memory_space<vmem>>[vector<16xi32>], vector<16xf32>,
      %gather3A_287 = tpu.vector_load_idx %arg10[%get3A_285] : memref<10000xf32, #tpu.memory_space<vmem>>[vector<16xi32>], vector<16xf32>,
      %add3A_288 = arith.addf %gather3A_286, %gather3A_287 : vector<16xf32>
      %gt3A_289 = arith.constant 0.000000e+00 : f32
      %gt3A_290 = vector.broadcast %gt3A_289 : f32 to vector<16xf32>
      %gt3A_291 = arith.cmpf ogt, %add3A_288, %gt3A_290 : vector<16xf32>
      %mul3A_292 = arith.constant 2.000000e-01 : f32
      %mul3A_293 = vector.broadcast %mul3A_292 : f32 to vector<16xf32>
      %mul3A_294 = arith.mulf %mul3A_293, %add3A_288 : vector<16xf32>
      %select_n3A_295 = arith.select %gt3A_291, %add3A_288, %mul3A_294 : vector<16xi1>, vector<16xf32>
      %exp3A_296 = math.exp %select_n3A_295 : vector<16xf32>
      %add3A_297 = arith.constant 96 : i32
      %add3A_298 = arith.addi %add3A_67, %add3A_297 : i32
      %add3A_299 = vector.broadcast %add3A_298 : i32 to vector<16xi32>
      %add3A_300 = arith.addi %add3A_299, %iota3A : vector<16xi32>
      %lt3A_301 = arith.constant 160000 : i32
      %lt3A_302 = vector.broadcast %lt3A_301 : i32 to vector<16xi32>
      %lt3A_303 = arith.cmpi slt, %add3A_300, %lt3A_302 : vector<16xi32>
      %jit3A_304 = arith.constant 0.000000e+00 : f32
      %broadcast_in_dim3A_305 = vector.broadcast %jit3A_304 : f32 to vector<16xf32>
      %select_n3A_306 = arith.select %lt3A_303, %exp3A_296, %broadcast_in_dim3A_305 : vector<16xi1>, vector<16xf32>
      %swap3A_307 = arith.constant 96 : index
      %swap3A_308 = tpu.vector_load %arg13[%swap3A_307] {strides = array<i32>} : memref<128xf32, #tpu.memory_space<vmem>>, vector<16xf32>,
      tpu.vector_store %arg13[%swap3A_307], %select_n3A_306 {strides = array<i32>} : memref<128xf32, #tpu.memory_space<vmem>>, vector<16xf32>,
      %add3A_309 = arith.constant 96 : i32
      %add3A_310 = vector.broadcast %add3A_309 : i32 to vector<16xi32>
      %add3A_311 = arith.addi %add3A_310, %iota3A : vector<16xi32>
      %mul3A_312 = arith.constant 0 : i32
      %mul3A_313 = vector.broadcast %mul3A_312 : i32 to vector<16xi32>
      %mul3A_314 = arith.muli %iota3A, %mul3A_313 : vector<16xi32>
      tpu.vector_store_idx %arg15[%add3A_311, %mul3A_314], %select_n3A_306 : memref<128x16xf32, #tpu.memory_space<vmem>>[vector<16xi32>, vector<16xi32>], vector<16xf32>,
      %add3A_315 = vector.broadcast %mul3A_28 : i32 to vector<16xi32>
      %add3A_316 = arith.addi %get3A_285, %add3A_315 : vector<16xi32>
      %swap3A_317 = arith.constant 96 : index
      %swap3A_318 = tpu.vector_load %arg12[%swap3A_317] {strides = array<i32>} : memref<128xi32, #tpu.memory_space<vmem>>, vector<16xi32>,
      tpu.vector_store %arg12[%swap3A_317], %add3A_316 {strides = array<i32>} : memref<128xi32, #tpu.memory_space<vmem>>, vector<16xi32>,
      %get3A_319 = arith.constant 112 : index
      %get3A_320 = tpu.vector_load %arg11[%get3A_319] {strides = array<i32>} : memref<128xi32, #tpu.memory_space<vmem>>, vector<16xi32>,
      %get3A_321 = arith.constant 112 : index
      %get3A_322 = tpu.vector_load %arg12[%get3A_321] {strides = array<i32>} : memref<128xi32, #tpu.memory_space<vmem>>, vector<16xi32>,
      %gather3A_323 = tpu.vector_load_idx %arg9[%get3A_320] : memref<10000xf32, #tpu.memory_space<vmem>>[vector<16xi32>], vector<16xf32>,
      %gather3A_324 = tpu.vector_load_idx %arg10[%get3A_322] : memref<10000xf32, #tpu.memory_space<vmem>>[vector<16xi32>], vector<16xf32>,
      %add3A_325 = arith.addf %gather3A_323, %gather3A_324 : vector<16xf32>
      %gt3A_326 = arith.constant 0.000000e+00 : f32
      %gt3A_327 = vector.broadcast %gt3A_326 : f32 to vector<16xf32>
      %gt3A_328 = arith.cmpf ogt, %add3A_325, %gt3A_327 : vector<16xf32>
      %mul3A_329 = arith.constant 2.000000e-01 : f32
      %mul3A_330 = vector.broadcast %mul3A_329 : f32 to vector<16xf32>
      %mul3A_331 = arith.mulf %mul3A_330, %add3A_325 : vector<16xf32>
      %select_n3A_332 = arith.select %gt3A_328, %add3A_325, %mul3A_331 : vector<16xi1>, vector<16xf32>
      %exp3A_333 = math.exp %select_n3A_332 : vector<16xf32>
      %add3A_334 = arith.constant 112 : i32
      %add3A_335 = arith.addi %add3A_67, %add3A_334 : i32
      %add3A_336 = vector.broadcast %add3A_335 : i32 to vector<16xi32>
      %add3A_337 = arith.addi %add3A_336, %iota3A : vector<16xi32>
      %lt3A_338 = arith.constant 160000 : i32
      %lt3A_339 = vector.broadcast %lt3A_338 : i32 to vector<16xi32>
      %lt3A_340 = arith.cmpi slt, %add3A_337, %lt3A_339 : vector<16xi32>
      %jit3A_341 = arith.constant 0.000000e+00 : f32
      %broadcast_in_dim3A_342 = vector.broadcast %jit3A_341 : f32 to vector<16xf32>
      %select_n3A_343 = arith.select %lt3A_340, %exp3A_333, %broadcast_in_dim3A_342 : vector<16xi1>, vector<16xf32>
      %swap3A_344 = arith.constant 112 : index
      %swap3A_345 = tpu.vector_load %arg13[%swap3A_344] {strides = array<i32>} : memref<128xf32, #tpu.memory_space<vmem>>, vector<16xf32>,
      tpu.vector_store %arg13[%swap3A_344], %select_n3A_343 {strides = array<i32>} : memref<128xf32, #tpu.memory_space<vmem>>, vector<16xf32>,
      %add3A_346 = arith.constant 112 : i32
      %add3A_347 = vector.broadcast %add3A_346 : i32 to vector<16xi32>
      %add3A_348 = arith.addi %add3A_347, %iota3A : vector<16xi32>
      %mul3A_349 = arith.constant 0 : i32
      %mul3A_350 = vector.broadcast %mul3A_349 : i32 to vector<16xi32>
      %mul3A_351 = arith.muli %iota3A, %mul3A_350 : vector<16xi32>
      tpu.vector_store_idx %arg15[%add3A_348, %mul3A_351], %select_n3A_343 : memref<128x16xf32, #tpu.memory_space<vmem>>[vector<16xi32>, vector<16xi32>], vector<16xf32>,
      %add3A_352 = vector.broadcast %mul3A_28 : i32 to vector<16xi32>
      %add3A_353 = arith.addi %get3A_322, %add3A_352 : vector<16xi32>
      %swap3A_354 = arith.constant 112 : index
      %swap3A_355 = tpu.vector_load %arg12[%swap3A_354] {strides = array<i32>} : memref<128xi32, #tpu.memory_space<vmem>>, vector<16xi32>,
      tpu.vector_store %arg12[%swap3A_354], %add3A_353 {strides = array<i32>} : memref<128xi32, #tpu.memory_space<vmem>>, vector<16xi32>,
      %dma_start3A = arith.constant 0 : i32
      %dma_start3A_356 = arith.constant 0 : i32
      %dma_start3A_357 = tpu.memref_slice %arg6[%dma_start3A, %dma_start3A_356] : memref<20000x128xf32, #tpu.memory_space<hbm>> -> memref<20000x128xf32, #tpu.memory_space<hbm>>
      tpu.enqueue_indirect_dma source(%dma_start3A_357 : memref<20000x128xf32, #tpu.memory_space<hbm>>) target(%arg14 : memref<128x128xf32, #tpu.memory_space<vmem>>) offsets(%arg12 : memref<128xi32, #tpu.memory_space<vmem>>) semaphore(%arg18 : memref<!tpu.dma_semaphore, #tpu.memory_space<semaphore_mem>>)
      %dma_wait3A = arith.constant 0 : i32
      %dma_wait3A_358 = arith.constant 0 : i32
      %dma_wait3A_359 = tpu.memref_slice %arg6[%dma_wait3A, %dma_wait3A_358] : memref<20000x128xf32, #tpu.memory_space<hbm>> -> memref<20000x128xf32, #tpu.memory_space<hbm>>
      tpu.wait_indirect_dma semaphore(%arg18 : memref<!tpu.dma_semaphore, #tpu.memory_space<semaphore_mem>>) src(%dma_wait3A_359 : memref<20000x128xf32, #tpu.memory_space<hbm>>) dst(%arg14 : memref<128x128xf32, #tpu.memory_space<vmem>>)
      %scan3A_360 = arith.constant 0 : i32
      %scan3A_361 = arith.constant 0 : i32
      %scan3A_362 = arith.constant 128 : i32
      %scan3A_363 = arith.addi %scan3A_361, %scan3A_362 : i32
      %scan3A_364 = arith.constant 1 : i32
      %scan3A_365 = scf.for %scan3A_368 = %scan3A_361 to %scan3A_363 step %scan3A_364 iter_args(%scan3A_369 = %scan3A_360) -> (i32)  : i32 {
        %broadcast_in_dim3A_370 = vector.broadcast %scan3A_368 : i32 to vector<16xi32>
        %gather3A_371 = tpu.vector_load_idx %arg13[%broadcast_in_dim3A_370] : memref<128xf32, #tpu.memory_space<vmem>>[vector<16xi32>], vector<16xf32>,
        %get3A_372 = arith.index_cast %scan3A_368 : i32 to index
        %get3A_373 = arith.constant 0 : index
        %get3A_374 = tpu.vector_load %arg14[%get3A_372, %get3A_373] {strides = array<i32>} : memref<128x128xf32, #tpu.memory_space<vmem>>, vector<16xf32>,
        %mul3A_375 = arith.mulf %get3A_374, %gather3A_371 : vector<16xf32>
        %swap3A_376 = arith.index_cast %scan3A_368 : i32 to index
        %swap3A_377 = arith.constant 0 : index
        %swap3A_378 = tpu.vector_load %arg14[%swap3A_376, %swap3A_377] {strides = array<i32>} : memref<128x128xf32, #tpu.memory_space<vmem>>, vector<16xf32>,
        tpu.vector_store %arg14[%swap3A_376, %swap3A_377], %mul3A_375 {strides = array<i32>} : memref<128x128xf32, #tpu.memory_space<vmem>>, vector<16xf32>,
        %get3A_379 = arith.index_cast %scan3A_368 : i32 to index
        %get3A_380 = arith.constant 16 : index
        %get3A_381 = tpu.vector_load %arg14[%get3A_379, %get3A_380] {strides = array<i32>} : memref<128x128xf32, #tpu.memory_space<vmem>>, vector<16xf32>,
        %mul3A_382 = arith.mulf %get3A_381, %gather3A_371 : vector<16xf32>
        %swap3A_383 = arith.index_cast %scan3A_368 : i32 to index
        %swap3A_384 = arith.constant 16 : index
        %swap3A_385 = tpu.vector_load %arg14[%swap3A_383, %swap3A_384] {strides = array<i32>} : memref<128x128xf32, #tpu.memory_space<vmem>>, vector<16xf32>,
        tpu.vector_store %arg14[%swap3A_383, %swap3A_384], %mul3A_382 {strides = array<i32>} : memref<128x128xf32, #tpu.memory_space<vmem>>, vector<16xf32>,
        %get3A_386 = arith.index_cast %scan3A_368 : i32 to index
        %get3A_387 = arith.constant 32 : index
        %get3A_388 = tpu.vector_load %arg14[%get3A_386, %get3A_387] {strides = array<i32>} : memref<128x128xf32, #tpu.memory_space<vmem>>, vector<16xf32>,
        %mul3A_389 = arith.mulf %get3A_388, %gather3A_371 : vector<16xf32>
        %swap3A_390 = arith.index_cast %scan3A_368 : i32 to index
        %swap3A_391 = arith.constant 32 : index
        %swap3A_392 = tpu.vector_load %arg14[%swap3A_390, %swap3A_391] {strides = array<i32>} : memref<128x128xf32, #tpu.memory_space<vmem>>, vector<16xf32>,
        tpu.vector_store %arg14[%swap3A_390, %swap3A_391], %mul3A_389 {strides = array<i32>} : memref<128x128xf32, #tpu.memory_space<vmem>>, vector<16xf32>,
        %get3A_393 = arith.index_cast %scan3A_368 : i32 to index
        %get3A_394 = arith.constant 48 : index
        %get3A_395 = tpu.vector_load %arg14[%get3A_393, %get3A_394] {strides = array<i32>} : memref<128x128xf32, #tpu.memory_space<vmem>>, vector<16xf32>,
        %mul3A_396 = arith.mulf %get3A_395, %gather3A_371 : vector<16xf32>
        %swap3A_397 = arith.index_cast %scan3A_368 : i32 to index
        %swap3A_398 = arith.constant 48 : index
        %swap3A_399 = tpu.vector_load %arg14[%swap3A_397, %swap3A_398] {strides = array<i32>} : memref<128x128xf32, #tpu.memory_space<vmem>>, vector<16xf32>,
        tpu.vector_store %arg14[%swap3A_397, %swap3A_398], %mul3A_396 {strides = array<i32>} : memref<128x128xf32, #tpu.memory_space<vmem>>, vector<16xf32>,
        %get3A_400 = arith.index_cast %scan3A_368 : i32 to index
        %get3A_401 = arith.constant 64 : index
        %get3A_402 = tpu.vector_load %arg14[%get3A_400, %get3A_401] {strides = array<i32>} : memref<128x128xf32, #tpu.memory_space<vmem>>, vector<16xf32>,
        %mul3A_403 = arith.mulf %get3A_402, %gather3A_371 : vector<16xf32>
        %swap3A_404 = arith.index_cast %scan3A_368 : i32 to index
        %swap3A_405 = arith.constant 64 : index
        %swap3A_406 = tpu.vector_load %arg14[%swap3A_404, %swap3A_405] {strides = array<i32>} : memref<128x128xf32, #tpu.memory_space<vmem>>, vector<16xf32>,
        tpu.vector_store %arg14[%swap3A_404, %swap3A_405], %mul3A_403 {strides = array<i32>} : memref<128x128xf32, #tpu.memory_space<vmem>>, vector<16xf32>,
        %get3A_407 = arith.index_cast %scan3A_368 : i32 to index
        %get3A_408 = arith.constant 80 : index
        %get3A_409 = tpu.vector_load %arg14[%get3A_407, %get3A_408] {strides = array<i32>} : memref<128x128xf32, #tpu.memory_space<vmem>>, vector<16xf32>,
        %mul3A_410 = arith.mulf %get3A_409, %gather3A_371 : vector<16xf32>
        %swap3A_411 = arith.index_cast %scan3A_368 : i32 to index
        %swap3A_412 = arith.constant 80 : index
        %swap3A_413 = tpu.vector_load %arg14[%swap3A_411, %swap3A_412] {strides = array<i32>} : memref<128x128xf32, #tpu.memory_space<vmem>>, vector<16xf32>,
        tpu.vector_store %arg14[%swap3A_411, %swap3A_412], %mul3A_410 {strides = array<i32>} : memref<128x128xf32, #tpu.memory_space<vmem>>, vector<16xf32>,
        %get3A_414 = arith.index_cast %scan3A_368 : i32 to index
        %get3A_415 = arith.constant 96 : index
        %get3A_416 = tpu.vector_load %arg14[%get3A_414, %get3A_415] {strides = array<i32>} : memref<128x128xf32, #tpu.memory_space<vmem>>, vector<16xf32>,
        %mul3A_417 = arith.mulf %get3A_416, %gather3A_371 : vector<16xf32>
        %swap3A_418 = arith.index_cast %scan3A_368 : i32 to index
        %swap3A_419 = arith.constant 96 : index
        %swap3A_420 = tpu.vector_load %arg14[%swap3A_418, %swap3A_419] {strides = array<i32>} : memref<128x128xf32, #tpu.memory_space<vmem>>, vector<16xf32>,
        tpu.vector_store %arg14[%swap3A_418, %swap3A_419], %mul3A_417 {strides = array<i32>} : memref<128x128xf32, #tpu.memory_space<vmem>>, vector<16xf32>,
        %get3A_421 = arith.index_cast %scan3A_368 : i32 to index
        %get3A_422 = arith.constant 112 : index
        %get3A_423 = tpu.vector_load %arg14[%get3A_421, %get3A_422] {strides = array<i32>} : memref<128x128xf32, #tpu.memory_space<vmem>>, vector<16xf32>,
        %mul3A_424 = arith.mulf %get3A_423, %gather3A_371 : vector<16xf32>
        %swap3A_425 = arith.index_cast %scan3A_368 : i32 to index
        %swap3A_426 = arith.constant 112 : index
        %swap3A_427 = tpu.vector_load %arg14[%swap3A_425, %swap3A_426] {strides = array<i32>} : memref<128x128xf32, #tpu.memory_space<vmem>>, vector<16xf32>,
        tpu.vector_store %arg14[%swap3A_425, %swap3A_426], %mul3A_424 {strides = array<i32>} : memref<128x128xf32, #tpu.memory_space<vmem>>, vector<16xf32>,
        %scan3A_428 = arith.constant 0 : i32
        scf.yield %scan3A_428 : i32
      }
      %scan3A_366 = arith.constant 128 : i32
      "tpu.region"() ({
        %run_scoped3A = tpu.sem_alloc : memref<!tpu.dma_semaphore, #tpu.memory_space<semaphore_mem>>
        %dma_start3A_368 = arith.constant 0 : i32
        %dma_start3A_369 = arith.constant 0 : i32
        %dma_start3A_370 = tpu.memref_slice %arg16[%dma_start3A_368, %dma_start3A_369] : memref<10112x128xf32, #tpu.memory_space<vmem_shared>> -> memref<10112x128xf32, #tpu.memory_space<vmem_shared>>
        tpu.enqueue_indirect_dma source(%arg14 : memref<128x128xf32, #tpu.memory_space<vmem>>) target(%dma_start3A_370 : memref<10112x128xf32, #tpu.memory_space<vmem_shared>>) offsets(%arg11 : memref<128xi32, #tpu.memory_space<vmem>>) semaphore(%run_scoped3A : memref<!tpu.dma_semaphore, #tpu.memory_space<semaphore_mem>>) {add = true}
        %dma_wait3A_371 = arith.constant 0 : i32
        %dma_wait3A_372 = arith.constant 0 : i32
        %dma_wait3A_373 = tpu.memref_slice %arg16[%dma_wait3A_371, %dma_wait3A_372] : memref<10112x128xf32, #tpu.memory_space<vmem_shared>> -> memref<10112x128xf32, #tpu.memory_space<vmem_shared>>
        tpu.wait_indirect_dma semaphore(%run_scoped3A : memref<!tpu.dma_semaphore, #tpu.memory_space<semaphore_mem>>) src(%arg14 : memref<128x128xf32, #tpu.memory_space<vmem>>) dst(%dma_wait3A_373 : memref<10112x128xf32, #tpu.memory_space<vmem_shared>>)
        tpu.yield
      }) : () -> ()
      "tpu.region"() ({
        %run_scoped3A = tpu.sem_alloc : memref<!tpu.dma_semaphore, #tpu.memory_space<semaphore_mem>>
        %dma_start3A_368 = arith.constant 0 : i32
        %dma_start3A_369 = arith.constant 0 : i32
        %dma_start3A_370 = tpu.memref_slice %arg17[%dma_start3A_368, %dma_start3A_369] : memref<10112x16xf32, #tpu.memory_space<vmem_shared>> -> memref<10112x16xf32, #tpu.memory_space<vmem_shared>>
        tpu.enqueue_indirect_dma source(%arg15 : memref<128x16xf32, #tpu.memory_space<vmem>>) target(%dma_start3A_370 : memref<10112x16xf32, #tpu.memory_space<vmem_shared>>) offsets(%arg11 : memref<128xi32, #tpu.memory_space<vmem>>) semaphore(%run_scoped3A : memref<!tpu.dma_semaphore, #tpu.memory_space<semaphore_mem>>) {add = true}
        %dma_wait3A_371 = arith.constant 0 : i32
        %dma_wait3A_372 = arith.constant 0 : i32
        %dma_wait3A_373 = tpu.memref_slice %arg17[%dma_wait3A_371, %dma_wait3A_372] : memref<10112x16xf32, #tpu.memory_space<vmem_shared>> -> memref<10112x16xf32, #tpu.memory_space<vmem_shared>>
        tpu.wait_indirect_dma semaphore(%run_scoped3A : memref<!tpu.dma_semaphore, #tpu.memory_space<semaphore_mem>>) src(%arg15 : memref<128x16xf32, #tpu.memory_space<vmem>>) dst(%dma_wait3A_373 : memref<10112x16xf32, #tpu.memory_space<vmem_shared>>)
        tpu.yield
      }) : () -> ()
      %scan3A_367 = arith.constant 0 : i32
      scf.yield %scan3A_367 : i32
    }
    %scan3A_35 = arith.constant 79 : i32
    %barrier3A_36 = arith.constant 0 : index
    tpu.barrier barrier_id(%barrier3A_36)
    %mul3A_37 = arith.constant 632 : i32
    %mul3A_38 = arith.muli %arg1, %mul3A_37 : i32
    %add3A_39 = arith.constant 0 : i32
    %add3A_40 = arith.addi %mul3A_38, %add3A_39 : i32
    %add3A_41 = arith.constant 0 : i32
    %add3A_42 = arith.addi %mul3A_38, %add3A_41 : i32
    "tpu.region"() ({
      %run_scoped3A = tpu.sem_alloc : memref<!tpu.dma_semaphore, #tpu.memory_space<semaphore_mem>>
      %dma_start3A = arith.constant 0 : i32
      %dma_start3A_61 = tpu.memref_slice %arg7[%arg0, %add3A_42, %dma_start3A] : memref<2x10112x128xf32, #tpu.memory_space<hbm>> -> memref<1x128x128xf32, #tpu.memory_space<hbm>>
      %dma_start3A_62 = tpu.memref_squeeze %dma_start3A_61 : memref<1x128x128xf32, #tpu.memory_space<hbm>> -> memref<128x128xf32, #tpu.memory_space<hbm>>
      %dma_start3A_63 = arith.constant 0 : i32
      %dma_start3A_64 = tpu.memref_slice %arg16[%add3A_40, %dma_start3A_63] : memref<10112x128xf32, #tpu.memory_space<vmem_shared>> -> memref<128x128xf32, #tpu.memory_space<vmem_shared>>
      tpu.enqueue_dma source(%dma_start3A_64 : memref<128x128xf32, #tpu.memory_space<vmem_shared>>) target(%dma_start3A_62 : memref<128x128xf32, #tpu.memory_space<hbm>>) target_semaphore(%run_scoped3A : memref<!tpu.dma_semaphore, #tpu.memory_space<semaphore_mem>>)
      %dma_wait3A = arith.constant 0 : i32
      %dma_wait3A_65 = tpu.memref_slice %arg7[%arg0, %add3A_42, %dma_wait3A] : memref<2x10112x128xf32, #tpu.memory_space<hbm>> -> memref<1x128x128xf32, #tpu.memory_space<hbm>>
      %dma_wait3A_66 = tpu.memref_squeeze %dma_wait3A_65 : memref<1x128x128xf32, #tpu.memory_space<hbm>> -> memref<128x128xf32, #tpu.memory_space<hbm>>
      %dma_wait3A_67 = arith.constant 0 : i32
      %dma_wait3A_68 = tpu.memref_slice %arg16[%add3A_40, %dma_wait3A_67] : memref<10112x128xf32, #tpu.memory_space<vmem_shared>> -> memref<128x128xf32, #tpu.memory_space<vmem_shared>>
      tpu.wait_dma2 semaphore(%run_scoped3A : memref<!tpu.dma_semaphore, #tpu.memory_space<semaphore_mem>>) src(%dma_wait3A_68 : memref<128x128xf32, #tpu.memory_space<vmem_shared>>) dst(%dma_wait3A_66 : memref<128x128xf32, #tpu.memory_space<hbm>>)
      tpu.yield
    }) : () -> ()
    %add3A_43 = arith.constant 128 : i32
    %add3A_44 = arith.addi %mul3A_38, %add3A_43 : i32
    %add3A_45 = arith.constant 128 : i32
    %add3A_46 = arith.addi %mul3A_38, %add3A_45 : i32
    "tpu.region"() ({
      %run_scoped3A = tpu.sem_alloc : memref<!tpu.dma_semaphore, #tpu.memory_space<semaphore_mem>>
      %dma_start3A = arith.constant 0 : i32
      %dma_start3A_61 = tpu.memref_slice %arg7[%arg0, %add3A_46, %dma_start3A] : memref<2x10112x128xf32, #tpu.memory_space<hbm>> -> memref<1x128x128xf32, #tpu.memory_space<hbm>>
      %dma_start3A_62 = tpu.memref_squeeze %dma_start3A_61 : memref<1x128x128xf32, #tpu.memory_space<hbm>> -> memref<128x128xf32, #tpu.memory_space<hbm>>
      %dma_start3A_63 = arith.constant 0 : i32
      %dma_start3A_64 = tpu.memref_slice %arg16[%add3A_44, %dma_start3A_63] : memref<10112x128xf32, #tpu.memory_space<vmem_shared>> -> memref<128x128xf32, #tpu.memory_space<vmem_shared>>
      tpu.enqueue_dma source(%dma_start3A_64 : memref<128x128xf32, #tpu.memory_space<vmem_shared>>) target(%dma_start3A_62 : memref<128x128xf32, #tpu.memory_space<hbm>>) target_semaphore(%run_scoped3A : memref<!tpu.dma_semaphore, #tpu.memory_space<semaphore_mem>>)
      %dma_wait3A = arith.constant 0 : i32
      %dma_wait3A_65 = tpu.memref_slice %arg7[%arg0, %add3A_46, %dma_wait3A] : memref<2x10112x128xf32, #tpu.memory_space<hbm>> -> memref<1x128x128xf32, #tpu.memory_space<hbm>>
      %dma_wait3A_66 = tpu.memref_squeeze %dma_wait3A_65 : memref<1x128x128xf32, #tpu.memory_space<hbm>> -> memref<128x128xf32, #tpu.memory_space<hbm>>
      %dma_wait3A_67 = arith.constant 0 : i32
      %dma_wait3A_68 = tpu.memref_slice %arg16[%add3A_44, %dma_wait3A_67] : memref<10112x128xf32, #tpu.memory_space<vmem_shared>> -> memref<128x128xf32, #tpu.memory_space<vmem_shared>>
      tpu.wait_dma2 semaphore(%run_scoped3A : memref<!tpu.dma_semaphore, #tpu.memory_space<semaphore_mem>>) src(%dma_wait3A_68 : memref<128x128xf32, #tpu.memory_space<vmem_shared>>) dst(%dma_wait3A_66 : memref<128x128xf32, #tpu.memory_space<hbm>>)
      tpu.yield
    }) : () -> ()
    %add3A_47 = arith.constant 256 : i32
    %add3A_48 = arith.addi %mul3A_38, %add3A_47 : i32
    %add3A_49 = arith.constant 256 : i32
    %add3A_50 = arith.addi %mul3A_38, %add3A_49 : i32
    "tpu.region"() ({
      %run_scoped3A = tpu.sem_alloc : memref<!tpu.dma_semaphore, #tpu.memory_space<semaphore_mem>>
      %dma_start3A = arith.constant 0 : i32
      %dma_start3A_61 = tpu.memref_slice %arg7[%arg0, %add3A_50, %dma_start3A] : memref<2x10112x128xf32, #tpu.memory_space<hbm>> -> memref<1x128x128xf32, #tpu.memory_space<hbm>>
      %dma_start3A_62 = tpu.memref_squeeze %dma_start3A_61 : memref<1x128x128xf32, #tpu.memory_space<hbm>> -> memref<128x128xf32, #tpu.memory_space<hbm>>
      %dma_start3A_63 = arith.constant 0 : i32
      %dma_start3A_64 = tpu.memref_slice %arg16[%add3A_48, %dma_start3A_63] : memref<10112x128xf32, #tpu.memory_space<vmem_shared>> -> memref<128x128xf32, #tpu.memory_space<vmem_shared>>
      tpu.enqueue_dma source(%dma_start3A_64 : memref<128x128xf32, #tpu.memory_space<vmem_shared>>) target(%dma_start3A_62 : memref<128x128xf32, #tpu.memory_space<hbm>>) target_semaphore(%run_scoped3A : memref<!tpu.dma_semaphore, #tpu.memory_space<semaphore_mem>>)
      %dma_wait3A = arith.constant 0 : i32
      %dma_wait3A_65 = tpu.memref_slice %arg7[%arg0, %add3A_50, %dma_wait3A] : memref<2x10112x128xf32, #tpu.memory_space<hbm>> -> memref<1x128x128xf32, #tpu.memory_space<hbm>>
      %dma_wait3A_66 = tpu.memref_squeeze %dma_wait3A_65 : memref<1x128x128xf32, #tpu.memory_space<hbm>> -> memref<128x128xf32, #tpu.memory_space<hbm>>
      %dma_wait3A_67 = arith.constant 0 : i32
      %dma_wait3A_68 = tpu.memref_slice %arg16[%add3A_48, %dma_wait3A_67] : memref<10112x128xf32, #tpu.memory_space<vmem_shared>> -> memref<128x128xf32, #tpu.memory_space<vmem_shared>>
      tpu.wait_dma2 semaphore(%run_scoped3A : memref<!tpu.dma_semaphore, #tpu.memory_space<semaphore_mem>>) src(%dma_wait3A_68 : memref<128x128xf32, #tpu.memory_space<vmem_shared>>) dst(%dma_wait3A_66 : memref<128x128xf32, #tpu.memory_space<hbm>>)
      tpu.yield
    }) : () -> ()
    %add3A_51 = arith.constant 384 : i32
    %add3A_52 = arith.addi %mul3A_38, %add3A_51 : i32
    %add3A_53 = arith.constant 384 : i32
    %add3A_54 = arith.addi %mul3A_38, %add3A_53 : i32
    "tpu.region"() ({
      %run_scoped3A = tpu.sem_alloc : memref<!tpu.dma_semaphore, #tpu.memory_space<semaphore_mem>>
      %dma_start3A = arith.constant 0 : i32
      %dma_start3A_61 = tpu.memref_slice %arg7[%arg0, %add3A_54, %dma_start3A] : memref<2x10112x128xf32, #tpu.memory_space<hbm>> -> memref<1x128x128xf32, #tpu.memory_space<hbm>>
      %dma_start3A_62 = tpu.memref_squeeze %dma_start3A_61 : memref<1x128x128xf32, #tpu.memory_space<hbm>> -> memref<128x128xf32, #tpu.memory_space<hbm>>
      %dma_start3A_63 = arith.constant 0 : i32
      %dma_start3A_64 = tpu.memref_slice %arg16[%add3A_52, %dma_start3A_63] : memref<10112x128xf32, #tpu.memory_space<vmem_shared>> -> memref<128x128xf32, #tpu.memory_space<vmem_shared>>
      tpu.enqueue_dma source(%dma_start3A_64 : memref<128x128xf32, #tpu.memory_space<vmem_shared>>) target(%dma_start3A_62 : memref<128x128xf32, #tpu.memory_space<hbm>>) target_semaphore(%run_scoped3A : memref<!tpu.dma_semaphore, #tpu.memory_space<semaphore_mem>>)
      %dma_wait3A = arith.constant 0 : i32
      %dma_wait3A_65 = tpu.memref_slice %arg7[%arg0, %add3A_54, %dma_wait3A] : memref<2x10112x128xf32, #tpu.memory_space<hbm>> -> memref<1x128x128xf32, #tpu.memory_space<hbm>>
      %dma_wait3A_66 = tpu.memref_squeeze %dma_wait3A_65 : memref<1x128x128xf32, #tpu.memory_space<hbm>> -> memref<128x128xf32, #tpu.memory_space<hbm>>
      %dma_wait3A_67 = arith.constant 0 : i32
      %dma_wait3A_68 = tpu.memref_slice %arg16[%add3A_52, %dma_wait3A_67] : memref<10112x128xf32, #tpu.memory_space<vmem_shared>> -> memref<128x128xf32, #tpu.memory_space<vmem_shared>>
      tpu.wait_dma2 semaphore(%run_scoped3A : memref<!tpu.dma_semaphore, #tpu.memory_space<semaphore_mem>>) src(%dma_wait3A_68 : memref<128x128xf32, #tpu.memory_space<vmem_shared>>) dst(%dma_wait3A_66 : memref<128x128xf32, #tpu.memory_space<hbm>>)
      tpu.yield
    }) : () -> ()
    %add3A_55 = arith.constant 512 : i32
    %add3A_56 = arith.addi %mul3A_38, %add3A_55 : i32
    %add3A_57 = arith.constant 512 : i32
    %add3A_58 = arith.addi %mul3A_38, %add3A_57 : i32
    "tpu.region"() ({
      %run_scoped3A = tpu.sem_alloc : memref<!tpu.dma_semaphore, #tpu.memory_space<semaphore_mem>>
      %dma_start3A = arith.constant 0 : i32
      %dma_start3A_61 = tpu.memref_slice %arg7[%arg0, %add3A_58, %dma_start3A] : memref<2x10112x128xf32, #tpu.memory_space<hbm>> -> memref<1x120x128xf32, #tpu.memory_space<hbm>>
      %dma_start3A_62 = tpu.memref_squeeze %dma_start3A_61 : memref<1x120x128xf32, #tpu.memory_space<hbm>> -> memref<120x128xf32, #tpu.memory_space<hbm>>
      %dma_start3A_63 = arith.constant 0 : i32
      %dma_start3A_64 = tpu.memref_slice %arg16[%add3A_56, %dma_start3A_63] : memref<10112x128xf32, #tpu.memory_space<vmem_shared>> -> memref<120x128xf32, #tpu.memory_space<vmem_shared>>
      tpu.enqueue_dma source(%dma_start3A_64 : memref<120x128xf32, #tpu.memory_space<vmem_shared>>) target(%dma_start3A_62 : memref<120x128xf32, #tpu.memory_space<hbm>>) target_semaphore(%run_scoped3A : memref<!tpu.dma_semaphore, #tpu.memory_space<semaphore_mem>>)
      %dma_wait3A = arith.constant 0 : i32
      %dma_wait3A_65 = tpu.memref_slice %arg7[%arg0, %add3A_58, %dma_wait3A] : memref<2x10112x128xf32, #tpu.memory_space<hbm>> -> memref<1x120x128xf32, #tpu.memory_space<hbm>>
      %dma_wait3A_66 = tpu.memref_squeeze %dma_wait3A_65 : memref<1x120x128xf32, #tpu.memory_space<hbm>> -> memref<120x128xf32, #tpu.memory_space<hbm>>
      %dma_wait3A_67 = arith.constant 0 : i32
      %dma_wait3A_68 = tpu.memref_slice %arg16[%add3A_56, %dma_wait3A_67] : memref<10112x128xf32, #tpu.memory_space<vmem_shared>> -> memref<120x128xf32, #tpu.memory_space<vmem_shared>>
      tpu.wait_dma2 semaphore(%run_scoped3A : memref<!tpu.dma_semaphore, #tpu.memory_space<semaphore_mem>>) src(%dma_wait3A_68 : memref<120x128xf32, #tpu.memory_space<vmem_shared>>) dst(%dma_wait3A_66 : memref<120x128xf32, #tpu.memory_space<hbm>>)
      tpu.yield
    }) : () -> ()
    %eq3A = arith.constant 0 : i32
    %eq3A_59 = arith.cmpi eq, %arg0, %eq3A : i32
    %convert_element_type3A = arith.extui %eq3A_59 : i1 to i32
    %cond3A = arith.constant 0 : i32
    %cond3A_60 = arith.cmpi ne, %convert_element_type3A, %cond3A : i32
    scf.if %cond3A_60 {
      %add3A_61 = arith.constant 0 : i32
      %add3A_62 = arith.addi %mul3A_38, %add3A_61 : i32
      %add3A_63 = arith.constant 0 : i32
      %add3A_64 = arith.addi %mul3A_38, %add3A_63 : i32
      "tpu.region"() ({
        %run_scoped3A = tpu.sem_alloc : memref<!tpu.dma_semaphore, #tpu.memory_space<semaphore_mem>>
        %dma_start3A = arith.constant 0 : i32
        %dma_start3A_81 = tpu.memref_slice %arg8[%add3A_64, %dma_start3A] : memref<10112x16xf32, #tpu.memory_space<hbm>> -> memref<128x16xf32, #tpu.memory_space<hbm>>
        %dma_start3A_82 = arith.constant 0 : i32
        %dma_start3A_83 = tpu.memref_slice %arg17[%add3A_62, %dma_start3A_82] : memref<10112x16xf32, #tpu.memory_space<vmem_shared>> -> memref<128x16xf32, #tpu.memory_space<vmem_shared>>
        tpu.enqueue_dma source(%dma_start3A_83 : memref<128x16xf32, #tpu.memory_space<vmem_shared>>) target(%dma_start3A_81 : memref<128x16xf32, #tpu.memory_space<hbm>>) target_semaphore(%run_scoped3A : memref<!tpu.dma_semaphore, #tpu.memory_space<semaphore_mem>>)
        %dma_wait3A = arith.constant 0 : i32
        %dma_wait3A_84 = tpu.memref_slice %arg8[%add3A_64, %dma_wait3A] : memref<10112x16xf32, #tpu.memory_space<hbm>> -> memref<128x16xf32, #tpu.memory_space<hbm>>
        %dma_wait3A_85 = arith.constant 0 : i32
        %dma_wait3A_86 = tpu.memref_slice %arg17[%add3A_62, %dma_wait3A_85] : memref<10112x16xf32, #tpu.memory_space<vmem_shared>> -> memref<128x16xf32, #tpu.memory_space<vmem_shared>>
        tpu.wait_dma2 semaphore(%run_scoped3A : memref<!tpu.dma_semaphore, #tpu.memory_space<semaphore_mem>>) src(%dma_wait3A_86 : memref<128x16xf32, #tpu.memory_space<vmem_shared>>) dst(%dma_wait3A_84 : memref<128x16xf32, #tpu.memory_space<hbm>>)
        tpu.yield
      }) : () -> ()
      %add3A_65 = arith.constant 128 : i32
      %add3A_66 = arith.addi %mul3A_38, %add3A_65 : i32
      %add3A_67 = arith.constant 128 : i32
      %add3A_68 = arith.addi %mul3A_38, %add3A_67 : i32
      "tpu.region"() ({
        %run_scoped3A = tpu.sem_alloc : memref<!tpu.dma_semaphore, #tpu.memory_space<semaphore_mem>>
        %dma_start3A = arith.constant 0 : i32
        %dma_start3A_81 = tpu.memref_slice %arg8[%add3A_68, %dma_start3A] : memref<10112x16xf32, #tpu.memory_space<hbm>> -> memref<128x16xf32, #tpu.memory_space<hbm>>
        %dma_start3A_82 = arith.constant 0 : i32
        %dma_start3A_83 = tpu.memref_slice %arg17[%add3A_66, %dma_start3A_82] : memref<10112x16xf32, #tpu.memory_space<vmem_shared>> -> memref<128x16xf32, #tpu.memory_space<vmem_shared>>
        tpu.enqueue_dma source(%dma_start3A_83 : memref<128x16xf32, #tpu.memory_space<vmem_shared>>) target(%dma_start3A_81 : memref<128x16xf32, #tpu.memory_space<hbm>>) target_semaphore(%run_scoped3A : memref<!tpu.dma_semaphore, #tpu.memory_space<semaphore_mem>>)
        %dma_wait3A = arith.constant 0 : i32
        %dma_wait3A_84 = tpu.memref_slice %arg8[%add3A_68, %dma_wait3A] : memref<10112x16xf32, #tpu.memory_space<hbm>> -> memref<128x16xf32, #tpu.memory_space<hbm>>
        %dma_wait3A_85 = arith.constant 0 : i32
        %dma_wait3A_86 = tpu.memref_slice %arg17[%add3A_66, %dma_wait3A_85] : memref<10112x16xf32, #tpu.memory_space<vmem_shared>> -> memref<128x16xf32, #tpu.memory_space<vmem_shared>>
        tpu.wait_dma2 semaphore(%run_scoped3A : memref<!tpu.dma_semaphore, #tpu.memory_space<semaphore_mem>>) src(%dma_wait3A_86 : memref<128x16xf32, #tpu.memory_space<vmem_shared>>) dst(%dma_wait3A_84 : memref<128x16xf32, #tpu.memory_space<hbm>>)
        tpu.yield
      }) : () -> ()
      %add3A_69 = arith.constant 256 : i32
      %add3A_70 = arith.addi %mul3A_38, %add3A_69 : i32
      %add3A_71 = arith.constant 256 : i32
      %add3A_72 = arith.addi %mul3A_38, %add3A_71 : i32
      "tpu.region"() ({
        %run_scoped3A = tpu.sem_alloc : memref<!tpu.dma_semaphore, #tpu.memory_space<semaphore_mem>>
        %dma_start3A = arith.constant 0 : i32
        %dma_start3A_81 = tpu.memref_slice %arg8[%add3A_72, %dma_start3A] : memref<10112x16xf32, #tpu.memory_space<hbm>> -> memref<128x16xf32, #tpu.memory_space<hbm>>
        %dma_start3A_82 = arith.constant 0 : i32
        %dma_start3A_83 = tpu.memref_slice %arg17[%add3A_70, %dma_start3A_82] : memref<10112x16xf32, #tpu.memory_space<vmem_shared>> -> memref<128x16xf32, #tpu.memory_space<vmem_shared>>
        tpu.enqueue_dma source(%dma_start3A_83 : memref<128x16xf32, #tpu.memory_space<vmem_shared>>) target(%dma_start3A_81 : memref<128x16xf32, #tpu.memory_space<hbm>>) target_semaphore(%run_scoped3A : memref<!tpu.dma_semaphore, #tpu.memory_space<semaphore_mem>>)
        %dma_wait3A = arith.constant 0 : i32
        %dma_wait3A_84 = tpu.memref_slice %arg8[%add3A_72, %dma_wait3A] : memref<10112x16xf32, #tpu.memory_space<hbm>> -> memref<128x16xf32, #tpu.memory_space<hbm>>
        %dma_wait3A_85 = arith.constant 0 : i32
        %dma_wait3A_86 = tpu.memref_slice %arg17[%add3A_70, %dma_wait3A_85] : memref<10112x16xf32, #tpu.memory_space<vmem_shared>> -> memref<128x16xf32, #tpu.memory_space<vmem_shared>>
        tpu.wait_dma2 semaphore(%run_scoped3A : memref<!tpu.dma_semaphore, #tpu.memory_space<semaphore_mem>>) src(%dma_wait3A_86 : memref<128x16xf32, #tpu.memory_space<vmem_shared>>) dst(%dma_wait3A_84 : memref<128x16xf32, #tpu.memory_space<hbm>>)
        tpu.yield
      }) : () -> ()
      %add3A_73 = arith.constant 384 : i32
      %add3A_74 = arith.addi %mul3A_38, %add3A_73 : i32
      %add3A_75 = arith.constant 384 : i32
      %add3A_76 = arith.addi %mul3A_38, %add3A_75 : i32
      "tpu.region"() ({
        %run_scoped3A = tpu.sem_alloc : memref<!tpu.dma_semaphore, #tpu.memory_space<semaphore_mem>>
        %dma_start3A = arith.constant 0 : i32
        %dma_start3A_81 = tpu.memref_slice %arg8[%add3A_76, %dma_start3A] : memref<10112x16xf32, #tpu.memory_space<hbm>> -> memref<128x16xf32, #tpu.memory_space<hbm>>
        %dma_start3A_82 = arith.constant 0 : i32
        %dma_start3A_83 = tpu.memref_slice %arg17[%add3A_74, %dma_start3A_82] : memref<10112x16xf32, #tpu.memory_space<vmem_shared>> -> memref<128x16xf32, #tpu.memory_space<vmem_shared>>
        tpu.enqueue_dma source(%dma_start3A_83 : memref<128x16xf32, #tpu.memory_space<vmem_shared>>) target(%dma_start3A_81 : memref<128x16xf32, #tpu.memory_space<hbm>>) target_semaphore(%run_scoped3A : memref<!tpu.dma_semaphore, #tpu.memory_space<semaphore_mem>>)
        %dma_wait3A = arith.constant 0 : i32
        %dma_wait3A_84 = tpu.memref_slice %arg8[%add3A_76, %dma_wait3A] : memref<10112x16xf32, #tpu.memory_space<hbm>> -> memref<128x16xf32, #tpu.memory_space<hbm>>
        %dma_wait3A_85 = arith.constant 0 : i32
        %dma_wait3A_86 = tpu.memref_slice %arg17[%add3A_74, %dma_wait3A_85] : memref<10112x16xf32, #tpu.memory_space<vmem_shared>> -> memref<128x16xf32, #tpu.memory_space<vmem_shared>>
        tpu.wait_dma2 semaphore(%run_scoped3A : memref<!tpu.dma_semaphore, #tpu.memory_space<semaphore_mem>>) src(%dma_wait3A_86 : memref<128x16xf32, #tpu.memory_space<vmem_shared>>) dst(%dma_wait3A_84 : memref<128x16xf32, #tpu.memory_space<hbm>>)
        tpu.yield
      }) : () -> ()
      %add3A_77 = arith.constant 512 : i32
      %add3A_78 = arith.addi %mul3A_38, %add3A_77 : i32
      %add3A_79 = arith.constant 512 : i32
      %add3A_80 = arith.addi %mul3A_38, %add3A_79 : i32
      "tpu.region"() ({
        %run_scoped3A = tpu.sem_alloc : memref<!tpu.dma_semaphore, #tpu.memory_space<semaphore_mem>>
        %dma_start3A = arith.constant 0 : i32
        %dma_start3A_81 = tpu.memref_slice %arg8[%add3A_80, %dma_start3A] : memref<10112x16xf32, #tpu.memory_space<hbm>> -> memref<120x16xf32, #tpu.memory_space<hbm>>
        %dma_start3A_82 = arith.constant 0 : i32
        %dma_start3A_83 = tpu.memref_slice %arg17[%add3A_78, %dma_start3A_82] : memref<10112x16xf32, #tpu.memory_space<vmem_shared>> -> memref<120x16xf32, #tpu.memory_space<vmem_shared>>
        tpu.enqueue_dma source(%dma_start3A_83 : memref<120x16xf32, #tpu.memory_space<vmem_shared>>) target(%dma_start3A_81 : memref<120x16xf32, #tpu.memory_space<hbm>>) target_semaphore(%run_scoped3A : memref<!tpu.dma_semaphore, #tpu.memory_space<semaphore_mem>>)
        %dma_wait3A = arith.constant 0 : i32
        %dma_wait3A_84 = tpu.memref_slice %arg8[%add3A_80, %dma_wait3A] : memref<10112x16xf32, #tpu.memory_space<hbm>> -> memref<120x16xf32, #tpu.memory_space<hbm>>
        %dma_wait3A_85 = arith.constant 0 : i32
        %dma_wait3A_86 = tpu.memref_slice %arg17[%add3A_78, %dma_wait3A_85] : memref<10112x16xf32, #tpu.memory_space<vmem_shared>> -> memref<120x16xf32, #tpu.memory_space<vmem_shared>>
        tpu.wait_dma2 semaphore(%run_scoped3A : memref<!tpu.dma_semaphore, #tpu.memory_space<semaphore_mem>>) src(%dma_wait3A_86 : memref<120x16xf32, #tpu.memory_space<vmem_shared>>) dst(%dma_wait3A_84 : memref<120x16xf32, #tpu.memory_space<hbm>>)
        tpu.yield
      }) : () -> ()
    } else {
    }
    return
  }
}

module attributes {stable_mosaic.version = 14 : i64} {
  func.func @_mm_body(%arg0: i32, %arg1: memref<1000x256xf32, #tpu.memory_space<vmem>>, %arg2: memref<256x256xf32, #tpu.memory_space<vmem>>, %arg3: memref<256x2xf32, #tpu.memory_space<vmem>>, %arg4: memref<2x1000x128xf32, #tpu.memory_space<vmem>>, %arg5: memref<1000x2xf32, #tpu.memory_space<vmem>>) attributes {dimension_semantics = [#tpu.dimension_semantics<arbitrary>], iteration_bounds = array<i64: 10>, scalar_prefetch = 0 : i64, scratch_operands = 0 : i64, tpu.core_type = #tpu.core_type<tc>, window_params = [{transform_indices = @transform_0, window_bounds = array<i64: 1000, 256>}, {pipeline_mode = #tpu.pipeline_mode<synchronous>, transform_indices = @transform_1, window_bounds = array<i64: 256, 256>}, {pipeline_mode = #tpu.pipeline_mode<synchronous>, transform_indices = @transform_2, window_bounds = array<i64: 256, 2>}, {transform_indices = @transform_3, window_bounds = array<i64: 2, 1000, 128>}, {transform_indices = @transform_4, window_bounds = array<i64: 1000, 2>}]} {
    %get3A = arith.constant 0 : index
    %get3A_0 = arith.constant 0 : index
    %get3A_1 = vector.load %arg1[%get3A, %get3A_0] : memref<1000x256xf32, #tpu.memory_space<vmem>>, vector<1000x256xf32>
    %get3A_2 = arith.constant 0 : index
    %get3A_3 = arith.constant 0 : index
    %get3A_4 = vector.load %arg2[%get3A_2, %get3A_3] : memref<256x256xf32, #tpu.memory_space<vmem>>, vector<256x256xf32>
    %dot_general3A = arith.constant dense<0.000000e+00> : vector<1000x256xf32>
    %dot_general3A_5 = tpu.matmul %get3A_1, %get3A_4, %dot_general3A {dimension_numbers = #tpu.dot_dimension_numbers<[1], [1], [0], [0], [0, 0, 1, 0], [], []>, transpose_lhs_hint = false} : vector<1000x256xf32>, vector<256x256xf32>, vector<1000x256xf32> -> vector<1000x256xf32>
    %slice3A = vector.extract_strided_slice %dot_general3A_5 {offsets = [0, 0], sizes = [1000, 128], strides = [1, 1]} : vector<1000x256xf32> to vector<1000x128xf32>
    %swap3A = arith.constant 0 : index
    %swap3A_6 = arith.constant 0 : index
    %swap3A_7 = arith.constant 0 : index
    %swap3A_8 = vector.load %arg4[%swap3A, %swap3A_6, %swap3A_7] : memref<2x1000x128xf32, #tpu.memory_space<vmem>>, vector<1x1000x128xf32>
    %swap3A_9 = vector.shape_cast %swap3A_8 : vector<1x1000x128xf32> to vector<1000x128xf32>
    %swap3A_10 = vector.shape_cast %slice3A : vector<1000x128xf32> to vector<1x1000x128xf32>
    tpu.vector_store %arg4[%swap3A, %swap3A_6, %swap3A_7], %swap3A_10 {strides = array<i32>} : memref<2x1000x128xf32, #tpu.memory_space<vmem>>, vector<1x1000x128xf32>,
    %slice3A_11 = vector.extract_strided_slice %dot_general3A_5 {offsets = [0, 128], sizes = [1000, 128], strides = [1, 1]} : vector<1000x256xf32> to vector<1000x128xf32>
    %swap3A_12 = arith.constant 1 : index
    %swap3A_13 = arith.constant 0 : index
    %swap3A_14 = arith.constant 0 : index
    %swap3A_15 = vector.load %arg4[%swap3A_12, %swap3A_13, %swap3A_14] : memref<2x1000x128xf32, #tpu.memory_space<vmem>>, vector<1x1000x128xf32>
    %swap3A_16 = vector.shape_cast %swap3A_15 : vector<1x1000x128xf32> to vector<1000x128xf32>
    %swap3A_17 = vector.shape_cast %slice3A_11 : vector<1000x128xf32> to vector<1x1000x128xf32>
    tpu.vector_store %arg4[%swap3A_12, %swap3A_13, %swap3A_14], %swap3A_17 {strides = array<i32>} : memref<2x1000x128xf32, #tpu.memory_space<vmem>>, vector<1x1000x128xf32>,
    %get3A_18 = arith.constant 0 : index
    %get3A_19 = arith.constant 0 : index
    %get3A_20 = vector.load %arg3[%get3A_18, %get3A_19] : memref<256x2xf32, #tpu.memory_space<vmem>>, vector<256x2xf32>
    %dot_general3A_21 = arith.constant dense<0.000000e+00> : vector<1000x2xf32>
    %dot_general3A_22 = tpu.matmul %dot_general3A_5, %get3A_20, %dot_general3A_21 {dimension_numbers = #tpu.dot_dimension_numbers<[1], [0], [0], [1], [0, 0, 1, 1], [], []>, transpose_lhs_hint = false} : vector<1000x256xf32>, vector<256x2xf32>, vector<1000x2xf32> -> vector<1000x2xf32>
    %swap3A_23 = arith.constant 0 : index
    %swap3A_24 = arith.constant 0 : index
    %swap3A_25 = vector.load %arg5[%swap3A_23, %swap3A_24] : memref<1000x2xf32, #tpu.memory_space<vmem>>, vector<1000x2xf32>
    tpu.vector_store %arg5[%swap3A_23, %swap3A_24], %dot_general3A_22 {strides = array<i32>} : memref<1000x2xf32, #tpu.memory_space<vmem>>, vector<1000x2xf32>,
    return
  }
  func.func @transform_0(%arg0: i32) -> (i32, i32) {
    %c0_i32 = arith.constant 0 : i32
    %c0_i32_0 = arith.constant 0 : i32
    return %arg0, %c0_i32 : i32, i32
  }
  func.func @transform_1(%arg0: i32) -> (i32, i32) {
    %c0_i32 = arith.constant 0 : i32
    %c0_i32_0 = arith.constant 0 : i32
    %c0_i32_1 = arith.constant 0 : i32
    return %c0_i32, %c0_i32_0 : i32, i32
  }
  func.func @transform_2(%arg0: i32) -> (i32, i32) {
    %c0_i32 = arith.constant 0 : i32
    %c0_i32_0 = arith.constant 0 : i32
    %c0_i32_1 = arith.constant 0 : i32
    return %c0_i32, %c0_i32_0 : i32, i32
  }
  func.func @transform_3(%arg0: i32) -> (i32, i32, i32) {
    %c0_i32 = arith.constant 0 : i32
    %c0_i32_0 = arith.constant 0 : i32
    %c0_i32_1 = arith.constant 0 : i32
    return %c0_i32, %arg0, %c0_i32_0 : i32, i32, i32
  }
  func.func @transform_4(%arg0: i32) -> (i32, i32) {
    %c0_i32 = arith.constant 0 : i32
    %c0_i32_0 = arith.constant 0 : i32
    return %arg0, %c0_i32 : i32, i32
  }
}

module attributes {stable_mosaic.version = 14 : i64} {
  func.func @_elu_body(%arg0: i32, %arg1: memref<1000x128xf32, #tpu.memory_space<vmem>>, %arg2: memref<1000x128xf32, #tpu.memory_space<vmem>>, %arg3: memref<1000x16xf32, #tpu.memory_space<vmem>>, %arg4: memref<1000x256xf32, #tpu.memory_space<vmem>>) attributes {dimension_semantics = [#tpu.dimension_semantics<arbitrary>], iteration_bounds = array<i64: 10>, scalar_prefetch = 0 : i64, scratch_operands = 0 : i64, tpu.core_type = #tpu.core_type<tc>, window_params = [{transform_indices = @transform_0, window_bounds = array<i64: 1000, 128>}, {transform_indices = @transform_1, window_bounds = array<i64: 1000, 128>}, {transform_indices = @transform_2, window_bounds = array<i64: 1000, 16>}, {transform_indices = @transform_3, window_bounds = array<i64: 1000, 256>}]} {
    %get3A = arith.constant 0 : index
    %get3A_0 = arith.constant 0 : index
    %get3A_1 = vector.load %arg1[%get3A, %get3A_0] : memref<1000x128xf32, #tpu.memory_space<vmem>>, vector<1000x128xf32>
    %get3A_2 = arith.constant 0 : index
    %get3A_3 = arith.constant 0 : index
    %get3A_4 = vector.load %arg2[%get3A_2, %get3A_3] : memref<1000x128xf32, #tpu.memory_space<vmem>>, vector<1000x128xf32>
    %concatenate3A = tpu.concatenate %get3A_1, %get3A_4 in 1 : vector<1000x128xf32>, vector<1000x128xf32> -> vector<1000x256xf32>
    %get3A_5 = arith.constant 0 : index
    %get3A_6 = arith.constant 0 : index
    %get3A_7 = vector.load %arg3[%get3A_5, %get3A_6] : memref<1000x16xf32, #tpu.memory_space<vmem>>, vector<1000x1xf32>
    %gt3A = arith.constant 0.000000e+00 : f32
    %gt3A_8 = vector.broadcast %gt3A : f32 to vector<1000x1xf32>
    %gt3A_9 = arith.cmpf ogt, %get3A_7, %gt3A_8 : vector<1000x1xf32>
    %jit3A = arith.constant 1.000000e+00 : f32
    %broadcast_in_dim3A = vector.broadcast %jit3A : f32 to vector<1000x1xf32>
    %select_n3A = arith.select %gt3A_9, %get3A_7, %broadcast_in_dim3A : vector<1000x1xi1>, vector<1000x1xf32>
    %div3A = vector.broadcast %select_n3A : vector<1000x1xf32> to vector<1000x256xf32>
    %div3A_10 = arith.divf %concatenate3A, %div3A : vector<1000x256xf32>
    %jit3A_11 = arith.constant 0.000000e+00 : f32
    %broadcast_in_dim3A_12 = vector.shape_cast %gt3A_9 : vector<1000x1xi1> to vector<1000x1xi1>
    %broadcast_in_dim3A_13 = vector.broadcast %broadcast_in_dim3A_12 : vector<1000x1xi1> to vector<1000x256xi1>
    %broadcast_in_dim3A_14 = vector.broadcast %jit3A_11 : f32 to vector<1000x256xf32>
    %select_n3A_15 = arith.select %broadcast_in_dim3A_13, %div3A_10, %broadcast_in_dim3A_14 : vector<1000x256xi1>, vector<1000x256xf32>
    %gt3A_16 = arith.constant 0.000000e+00 : f32
    %gt3A_17 = vector.broadcast %gt3A_16 : f32 to vector<1000x256xf32>
    %gt3A_18 = arith.cmpf ogt, %select_n3A_15, %gt3A_17 : vector<1000x256xf32>
    %exp3A = math.exp %select_n3A_15 : vector<1000x256xf32>
    %sub3A = arith.constant 1.000000e+00 : f32
    %sub3A_19 = vector.broadcast %sub3A : f32 to vector<1000x256xf32>
    %sub3A_20 = arith.subf %exp3A, %sub3A_19 : vector<1000x256xf32>
    %select_n3A_21 = arith.select %gt3A_18, %select_n3A_15, %sub3A_20 : vector<1000x256xi1>, vector<1000x256xf32>
    %swap3A = arith.constant 0 : index
    %swap3A_22 = arith.constant 0 : index
    %swap3A_23 = vector.load %arg4[%swap3A, %swap3A_22] : memref<1000x256xf32, #tpu.memory_space<vmem>>, vector<1000x256xf32>
    tpu.vector_store %arg4[%swap3A, %swap3A_22], %select_n3A_21 {strides = array<i32>} : memref<1000x256xf32, #tpu.memory_space<vmem>>, vector<1000x256xf32>,
    return
  }
  func.func @transform_0(%arg0: i32) -> (i32, i32) {
    %c0_i32 = arith.constant 0 : i32
    %c0_i32_0 = arith.constant 0 : i32
    return %arg0, %c0_i32 : i32, i32
  }
  func.func @transform_1(%arg0: i32) -> (i32, i32) {
    %c0_i32 = arith.constant 0 : i32
    %c0_i32_0 = arith.constant 0 : i32
    return %arg0, %c0_i32 : i32, i32
  }
  func.func @transform_2(%arg0: i32) -> (i32, i32) {
    %c0_i32 = arith.constant 0 : i32
    %c0_i32_0 = arith.constant 0 : i32
    return %arg0, %c0_i32 : i32, i32
  }
  func.func @transform_3(%arg0: i32) -> (i32, i32) {
    %c0_i32 = arith.constant 0 : i32
    %c0_i32_0 = arith.constant 0 : i32
    return %arg0, %c0_i32 : i32, i32
  }
}

</mosaic_0001>

<sc_bundles>
// kernel: kernel.5.cloned.1.call-start
scs
__scs_entry_jumppad:
0x0: {  	(pc) =	sbr.rel $0x88, $3  }
0x1: {  	(tag) =	ssettag $0x0;
	lr =	simm.s32 $0x1  }
0x2: {  	[smem:$0x3F9D] =	sst lr;
	_ =	strace $0xD0000000  }
0x3: {  	_ = 	snop  }
0x4: {  	_ = 	snop  }
0x5: {  	_ = 	snop  }
0x6: {  	_ = 	snop  }
0x7: {  	_ = 	snop  }
__scs_overlays_trampoline_lowered:
0x8: {  	[smem:$0x3FAC] =	sst s0  }
0x9: {  	[smem:$0x3FAD] =	sst s1  }
0xa: {  	[smem:$0x3FAE] =	sst s2  }
0xb: {  	[smem:$0x3FAF] =	sst s3  }
0xc: {  	[smem:$0x3FB0] =	sst s4  }
0xd: {  	[smem:$0x3FB1] =	sst s5  }
0xe: {  	[smem:$0x3FB2] =	sst s6  }
0xf: {  	[smem:$0x3FB3] =	sst s7  }
0x10: {  	[smem:$0x3FB4] =	sst s8  }
0x11: {  	[smem:$0x3FB5] =	sst s9;
	s0 =	simm.s32 @!p0 $0x0  }
0x12: {  	s1 =	sld [smem:$0x3F9B];
	s0 =	simm.s32 @p0 $0x1  }
0x13: {  	[smem:$0x3FB6] =	sst s0;
	s0 =	simm.s32 @!p1 $0x0  }
0x14: {  	s2 =	sld [smem:$0x3F9A];
	s0 =	simm.s32 @p1 $0x1  }
0x15: {  	[smem:$0x3FB7] =	sst s0;
	s0 =	simm.s32 @!p2 $0x0  }
0x16: {  	s3 =	sld [smem:$0x3FDB];
	s0 =	simm.s32 @p2 $0x1  }
0x17: {  	s4 =	simm.s32 $0x1BF5;
	[smem:$0x3FB9] =	sst s0  }
0x18: {  	s0 =	sld [smem:$0x3F9C];
	_ =	swait.ge [sflag:s4], $0x0  }
0x19: {  	s7 =	sld [smem:$0x3F9D]  }
0x1a: {  	s8 =	sadd.s32 $0xFFFFE003, lr  }
0x1b: {  	s9 =	sadd.s32 $0xFFFFFEF7, lr;
	s5 =	simm.s32 $0xFFFFFFFF;
	p2 =	slt.u32 s8, $0xFFFFF086  }
0x1c: {  	p1 =	slt.u32 s9, $0xF7A;
	s5 =	simm.s32 @!p2 $0x0  }
0x1d: {  	s5 =	simm.s32 @p1 $0x1;
	p0 =	seq.s32 s7, s2  }
0x1e: {  	s7 =	smul.u32 @!p0 $0xF7A, s2;
	p2 =	seq.s32 @!p0 s5, $0x0  }
0x1f: {  	s9 =	smul.u32 $0xF7A, s1;
	s8 =	simm.s32 @!p0 $0x1BF5;
	p2 =	por !p2, p0  }
0x20: {  	[sflag:s8] =	ssyncset.s32 @!p0 $0xFFFFF086;
	s6 =	sadd.s32 @!p0 s3, s7;
	s7 =	simm.s32 @!p0 $0x108  }
0x21: {  	s3 =	sadd.s32 s3, s9;
	s6 =	sadd.s32 @!p0 $0x88, s6;
	s7 =	simm.s32 @p2 $0x1082  }
0x22: {  	[simem:s7], [sflag:s8] =	dma.local @!p0 [hbm:s6], $0xF7A  }
0x23: {  	s9 =	sor.u32 $0xD0000000, s2;
	s6 =	simm.s32 $0x108;
	_ =	swait.ge @!p0 [sflag:s8], $0x0  }
0x24: {  	s3 =	sadd.s32 $0x88, s3;
	s6 =	simm.s32 @!p1 $0x1082;
	[sflag:s4] =	ssyncset.s32 $0xFFFFF086  }
0x25: {  	[simem:s6], [sflag:s4] =	dma.local [hbm:s3], $0xF7A  }
0x26: {  	[smem:$0x3F9D] =	sst s1;
	(tag) =	ssettag s2;
	_ =	strace s9  }
0x27: {  	s1 =	sld [smem:$0x3FAD]  }
0x28: {  	s2 =	sld [smem:$0x3FAE]  }
0x29: {  	s4 =	sld [smem:$0x3FB0]  }
0x2a: {  	p0 =	seq.s32 s5, $0x0;
	s5 =	sld [smem:$0x3FB1]  }
0x2b: {  	s6 =	sld [smem:$0x3FB2]  }
0x2c: {  	s7 =	sld [smem:$0x3FB3]  }
0x2d: {  	s3 =	simm.s32 $0x108;
	s8 =	sld [smem:$0x3FB4]  }
0x2e: {  	s3 =	simm.s32 @!p0 $0x1082;
	s9 =	sld [smem:$0x3FB5]  }
0x2f: {  	lr =	sadd.s32 s0, s3;
	s0 =	sld [smem:$0x3FAC]  }
0x30: {  	s3 =	sld [smem:$0x3FAF]  }
0x31: {  	[smem:$0x3FB8] =	sst s10  }
0x32: {  	s10 =	sld [smem:$0x3FB6];
	_ =	sdelay $0x3  }
0x33: {  	p0 =	seq.s32 s10, $0x1;
	s10 =	sld [smem:$0x3FB8];
	_ =	sdelay $0x3  }
0x34: {  	[smem:$0x3FB8] =	sst s10  }
0x35: {  	s10 =	sld [smem:$0x3FB7];
	_ =	sdelay $0x3  }
0x36: {  	p1 =	seq.s32 s10, $0x1;
	s10 =	sld [smem:$0x3FB8];
	_ =	sdelay $0x3  }
0x37: {  	[smem:$0x3FB8] =	sst s10  }
0x38: {  	s10 =	sld [smem:$0x3FB9]  }
0x39: {  	_ = 	snop;
	(pc) =	sbr.ind lr, $3  }
0x3a: {  	_ = 	snop  }
0x3b: {  	_ = 	snop  }
0x3c: {  	p2 =	seq.s32 s10, $0x1;
	s10 =	sld [smem:$0x3FB8]  }
0x3d: {  	_ =	shalt  }
0x3e: {  	_ =	shalt  }
0x3f: {  	_ =	shalt  }
0x40: {  	_ =	shalt  }
0x41: {  	_ =	shalt  }
0x42: {  	_ =	shalt  }
0x43: {  	_ =	shalt  }
0x44: {  	_ =	shalt  }
0x45: {  	_ =	shalt  }
0x46: {  	_ =	shalt  }
0x47: {  	_ =	shalt  }
0x48: {  	_ =	shalt  }
0x49: {  	_ =	shalt  }
0x4a: {  	_ =	shalt  }
0x4b: {  	_ =	shalt  }
0x4c: {  	_ =	shalt  }
0x4d: {  	_ =	shalt  }
0x4e: {  	_ =	shalt  }
0x4f: {  	_ =	shalt  }
0x50: {  	_ =	shalt  }
0x51: {  	_ =	shalt  }
0x52: {  	_ =	shalt  }
0x53: {  	_ =	shalt  }
0x54: {  	_ =	shalt  }
0x55: {  	_ =	shalt  }
0x56: {  	_ =	shalt  }
0x57: {  	_ =	shalt  }
0x58: {  	_ =	shalt  }
0x59: {  	_ =	shalt  }
0x5a: {  	_ =	shalt  }
0x5b: {  	_ =	shalt  }
0x5c: {  	_ =	shalt  }
0x5d: {  	_ =	shalt  }
0x5e: {  	_ =	shalt  }
0x5f: {  	_ =	shalt  }
0x60: {  	_ =	shalt  }
0x61: {  	_ =	shalt  }
0x62: {  	_ =	shalt  }
0x63: {  	_ =	shalt  }
0x64: {  	_ =	shalt  }
0x65: {  	_ =	shalt  }
0x66: {  	_ =	shalt  }
0x67: {  	_ =	shalt  }
0x68: {  	_ =	shalt  }
0x69: {  	_ =	shalt  }
0x6a: {  	_ =	shalt  }
0x6b: {  	_ =	shalt  }
0x6c: {  	_ =	shalt  }
0x6d: {  	_ =	shalt  }
0x6e: {  	_ =	shalt  }
0x6f: {  	_ =	shalt  }
0x70: {  	_ =	shalt  }
0x71: {  	_ =	shalt  }
0x72: {  	_ =	shalt  }
0x73: {  	_ =	shalt  }
0x74: {  	_ =	shalt  }
0x75: {  	_ =	shalt  }
0x76: {  	_ =	shalt  }
0x77: {  	_ =	shalt  }
0x78: {  	_ =	shalt  }
0x79: {  	_ =	shalt  }
0x7a: {  	_ =	shalt  }
0x7b: {  	_ =	shalt  }
0x7c: {  	_ =	shalt  }
0x7d: {  	_ =	shalt  }
0x7e: {  	_ =	shalt  }
0x7f: {  	_ =	shalt  }
0x80: {  	_ =	shalt  }
0x81: {  	_ =	shalt  }
0x82: {  	_ =	shalt  }
0x83: {  	_ =	shalt  }
0x84: {  	_ =	shalt  }
0x85: {  	_ =	shalt  }
0x86: {  	_ =	shalt  }
0x87: {  	_ =	shalt  }
.Lfunc_end0:
.L_simem_size_0:
called_computation_lowered:
.L_overlay_start_0:
0x88: {  	s2 =	sld [smem:$0x3FD9]  }
0x89: {  	s3 =	sld [smem:$0x3FFE];
	_ =	sdelay $0x1  }
0x8a: {  	s1 =	srdreg.scid  }
0x8b: {  	s0 =	sand.u32 $0x1, s1  }
0x8c: {  	s17 =	sshll.u32 s0, $0xA;
	s2 =	sadd.s32 s3, s2  }
0x8d: {  	s2 =	sadd.s32 s2, s17  }
0x8e: {  	[smem:$0x3FC4] =	sst s2  }
0x8f: {  	_ = 	snop  }
0x90: {  	s2 =	sld [smem:$0x3FD0];
	(tm) =	ssettm $0x1  }
0x91: {  	s18 =	sld [smem:$0x3FFB];
	_ =	sdelay $0x3  }
0x92: {  	_ =	strace s18  }
0x93: {  	s3 =	sld [smem:$0x3FFC];
	_ =	sdelay $0x3  }
0x94: {  	_ =	strace s3  }
0x95: {  	s3 =	sld [smem:$0x3FFD];
	_ =	sdelay $0x3  }
0x96: {  	_ =	strace s3  }
0x97: {  	_ =	strace $0x8FFFFFFF  }
0x98: {  	s19 =	sld [smem:$0x3FDB];
	_ =	sdelay $0x1  }
0x99: {  	s4 =	simm.s32 $_scs_section_size  }
0x9a: {  	s5 =	simm.s32 $_size__tile_overlayer_lowered;
	s6 =	simm.s32 $_tile_overlayer_lowered  }
0x9b: {  	s22 =	simm.s32 $0x1BFF;
	s21 =	sshll.u32 s6, $0x1;
	s3 =	sadd.s32 s4, s19  }
0x9c: {  	s7 =	simm.s32 $0x0;
	s20 =	sshll.u32 s5, $0x1;
	s5 =	sadd.s32 s21, s3  }
0x9d: {  	[timem:s7], [sflag:s22] =	dma.local [hbm:s5], s20  }
0x9e: {  	_ =	swait.ge [sflag:s22], s20  }
0x9f: {  	s4 =	ssub.s32 $0x0, s20;
	[sflag:s22] =	ssyncset.done $0x0  }
0xa0: {  	[sflag:s22] =	ssyncadd.s32 s4;
	_ =	sdelay $0x1  }
0xa1: {  	s23 =	simm.s32 $0x1B8B  }
0xa2: {  	_ =	swait.ge [sflag:s23], $0x1  }
0xa3: {  	[sflag:s23] =	ssyncset.done $0x0  }
0xa4: {  	s25 =	simm.s32 $0x1B8E;
	s24 =	sld [smem:$0x3FFE];
	[sflag:s23] =	ssyncadd.s32 $0xFFFFFFFF  }
0xa5: {  	s26 =	simm.s32 $execute0_lowered;
	[smem:$0x3FD2] =	sst s25  }
0xa6: {  	s5 =	sshll.u32 s26, $0x1;
	_ =	strace $0x80000046;
	[dreg:$0x1] =	wrdreg $0xFFFFFFFF  }
0xa7: {  	s28 =	simm.s32 $_size_execute0_lowered;
	s3 =	sadd.s32 s3, s5;
	[dreg:$0x0] =	wrdreg $0x0  }
0xa8: {  	s5 =	sshll.u32 s28, $0x1;
	[dreg:$0x2] =	wrdreg s3  }
0xa9: {  	[dreg:$0x3] =	wrdreg s5  }
0xaa: {  	[dreg:$0x4] =	wrdreg $0xC0  }
0xab: {  	_ =	task [dreg:s7], $0x5FFFF  }
0xac: {  	[dreg:$0x1] =	wrdreg $0xFFFFFFFF  }
0xad: {  	[dreg:$0x0] =	wrdreg $0x60  }
0xae: {  	[dreg:$0x2] =	wrdreg s24  }
0xaf: {  	[dreg:$0x3] =	wrdreg s2  }
0xb0: {  	[dreg:$0x4] =	wrdreg $0x97A00  }
0xb1: {  	[dreg:$0x5] =	wrdreg $0x1D3A00  }
0xb2: {  	[dreg:$0x6] =	wrdreg $0x9  }
0xb3: {  	_ =	task.clear_ibuf [dreg:s7], $0x7FFFF;
	_ =	strace $0x90000046  }
0xb4: {  	s29 =	simm.s32 $0x9;
	_ =	strace $0x80000048  }
0xb5: {  	_ =	swait.ge [sflag:s29], $0x1  }
0xb6: {  	[sflag:s29] =	ssyncadd.s32 $0xFFFFFFFF  }
0xb7: {  	_ =	strace $0x90000048  }
0xb8: {  	_ =	sfence  }
0xb9: {  	s30 =	sld [smem:$0x0];
	_ =	sdelay $0x2  }
0xba: {  	s31 =	sshll.u32 s1, $0xD;
	s1 =	sshrl.u32 s1, $0x2  }
0xbb: {  	s3 =	sand.u32 $0x4000, s31;
	s1 =	sadd.s32 s1, s30  }
0xbc: {  	s0 =	sor.u32 s3, s0;
	s1 =	sshll.u32 s1, $0x11  }
0xbd: {  	s0 =	sor.u32 s1, s0  }
0xbe: {  	s0 =	sadd.s32 $0x8F2B, s0  }
0xbf: {  	[sflag:s0] =	ssyncadd.remote.s32 $0x1  }
0xc0: {  	_ =	sfence.sel $0xFFFF  }
0xc1: {  	[dreg:$0x0] =	wrdreg $0xFFFFFFFF;
	(pc) =	sbr.abs _section_cstart, $3  }
0xc2: {  	[dreg:$0x1] =	wrdreg $0xFFFFFFFF  }
0xc3: {  	_ =	task.clear_ibuf [dreg:s7], $0x2FFFF;
	_ =	strace $0x9FFFFFFF  }
0xc4: {  	(tm) =	ssettm $0x7FFFFFFF  }
0xc5: {  	_ =	shalt  }
tec
execute0_lowered:
.L_overlay_start_1:
0x0: {  	(tag) =	ssettag $0x1  }
0x1: {  	s3 =	rddreg [dreg:$0x0]  }
0x2: {  	s1 =	rddreg [dreg:$0x1]  }
0x3: {  	s2 =	rddreg [dreg:$0x2];
	s4 =	stileid.u32  }
0x4: {  	s5 =	simm.s32 $0x0;
	s0 =	srdreg.scid;
	s23 =	smul.u32 $0x278, s4  }
0x5: {  	[smem:$0x7FF] =	sst s5;
	s0 =	sand.u32 $0x1, s0;
	s8 =	smul.u32 $0x13C00, s4  }
0x6: {  	s6 =	sadd.s32 $0xAE00, s3;
	s9 =	sadd.s32 $0x59E00, s3;
	s4 =	smul.u32 $0x2780, s4  }
0x7: {  	s7 =	ssub.s32 $0x2, s0;
	s11 =	smul.u32 $0x13C000, s0;
	p0 =	sne.s32 s0, $0x0  }
0x8: {  	s10 =	sshrl.u32 s7, $0x1;
	s13 =	sadd.s32 $0x100, s23;
	s15 =	sadd.s32 $0x180, s23  }
0x9: {  	s5 =	sadd.s32 $0x200, s23;
	s21 =	sshrl.u32 s4, $0x3;
	s7 =	ssub.s32 s7, s10  }
0xa: {  	s10 =	sadd.s32 $0x80, s23;
	s16 =	sshll.u32 s13, $0x7;
	s19 =	sshll.u32 s15, $0x7  }
0xb: {  	s14 =	sadd.s32 s8, s11;
	s20 =	sshll.u32 s5, $0x7;
	s12 =	sshll.u32 s10, $0x7  }
0xc: {  	s14 =	sshrl.u32 s14, $0x3;
	s25 =	sadd.s32 s11, s16;
	s26 =	sadd.s32 s11, s19  }
0xd: {  	s22 =	sshll.u32 s10, $0x1;
	s29 =	sadd.s32 s20, s2;
	s17 =	sadd.s32 s11, s12  }
0xe: {  	s14 =	sadd.s32 s6, s14;
	s11 =	sadd.s32 s11, s20;
	s23 =	sadd.s32 s9, s22  }
0xf: {  	s31 =	sadd.s32 s12, s2;
	s12 =	sshll.u32 s10, $0x4;
	s20 =	sshll.u32 s5, $0x4  }
0x10: {  	s22 =	smul.u32 $0x2710, s0;
	s0 =	simm.s32 $0x2;
	s10 =	simm.s32 $0x1  }
0x11: {  	[dreg:$0x5] =	wrdreg s14;
	s24 =	sshrl.u32 s17, $0x3;
	s17 =	sshrl.u32 s26, $0x3  }
0x12: {  	s11 =	sshrl.u32 s11, $0x3;
	[dreg:$0xb] =	wrdreg s23;
	s26 =	sshll.u32 s5, $0x1  }
0x13: {  	s23 =	smax.u32 s7, $0x1;
	s5 =	simm.s32 $0x4FA0;
	s7 =	simm.s32 $0x4E20  }
0x14: {  	s14 =	sadd.s32 s6, s24;
	s18 =	sadd.s32 s6, s17;
	s24 =	sshll.u32 s13, $0x1  }
0x15: {  	s17 =	sadd.s32 $0x5200, s3;
	[dreg:$0x6] =	wrdreg s14;
	s14 =	sshrl.u32 s25, $0x3  }
0x16: {  	[dreg:$0x8] =	wrdreg s18;
	s25 =	sshll.u32 s15, $0x1;
	s14 =	sadd.s32 s6, s14  }
0x17: {  	s18 =	sadd.s32 $0x200, s3;
	s6 =	sadd.s32 s6, s11;
	[dreg:$0x7] =	wrdreg s14  }
0x18: {  	s11 =	sadd.s32 $0xA800, s3;
	s3 =	sadd.s32 $0xA200, s3;
	[dreg:$0x9] =	wrdreg s6  }
0x19: {  	s6 =	sadd.s32 s9, s21;
	s14 =	rddreg [dreg:$0x3];
	s21 =	sadd.s32 s8, s2  }
0x1a: {  	s8 =	simm.s32 $0x4EA0;
	[dreg:$0xa] =	wrdreg s6;
	s6 =	sadd.s32 s9, s24  }
0x1b: {  	s24 =	sadd.s32 s16, s2;
	s16 =	sshll.u32 s13, $0x4;
	s30 =	sadd.s32 s20, s14  }
0x1c: {  	s13 =	simm.s32 $0x0;
	[dreg:$0xc] =	wrdreg s6;
	s6 =	sadd.s32 s9, s25  }
0x1d: {  	v0 =	vlaneseq.u32;
	s25 =	sadd.s32 s16, s14;
	[dreg:$0xd] =	wrdreg s6;
	s6 =	sadd.s32 s9, s26  }
0x1e: {  	v0 =	vmul.u32 $0x10, v0;
	s26 =	sadd.s32 s19, s2;
	s19 =	sshll.u32 s15, $0x4;
	[dreg:$0xe] =	wrdreg s6  }
0x1f: {  	s9 =	simm.s32 $0x80;
	_ =	strace $0x80000047;
	[dreg:$0xf] =	wrdreg s11  }
0x20: {  	v2 =	vimm.f32 $0.0e+00;
	v3 =	vor.u32 $0x100, v0;
	v4 =	vor.u32 $0x200, v0;
	s28 =	sadd.s32 s19, s14;
	s6 =	simm.s32 $0x8FA0;
	[dreg:$0x10] =	wrdreg s3  }
0x21: {  	v5 =	vor.u32 $0x300, v0;
	v6 =	vor.u32 $0x400, v0;
	v7 =	vor.u32 $0x500, v0;
	s3 =	sadd.s32 s12, s14;
	[dreg:$0x12] =	wrdreg s23;
	s11 =	sadd.s32 s4, s14  }
0x22: {  	v8 =	vor.u32 $0x600, v0;
	v9 =	vor.u32 $0x700, v0;
	v1 =	vmov s22;
	s12 =	simm.s32 $0x4F20;
	[dreg:$0x11] =	wrdreg s3;
	s3 =	simm.s32 $0x2710  }
.LBB2_1:
0x23: {  	s15 =	simm.s32 $0x0;
	s16 =	rddreg [dreg:$0xf]  }
0x24: {  	[tilespmem:s15], [sflag:$0x2] =	stream.linear.gather [hbm4b:s16+s15], $0x2710, $0x38;
	[tilespmem:$0x1FB20] =	vst v63  }
0x25: {  	_ =	swait.ge [sflag:s0], $0x2710  }
0x26: {  	[sflag:s0] =	ssyncset.done $0x0  }
0x27: {  	s23 =	rddreg [dreg:$0x10];
	[sflag:s0] =	ssyncadd.s32 $0xFFFFD8F0  }
0x28: {  	[tilespmem:s3], [sflag:$0x2] =	stream.linear.gather [hbm4b:s23+s15], $0x2710, $0x38;
	[tilespmem:$0x1FB20] =	vst v63  }
0x29: {  	_ =	swait.ge [sflag:s0], $0x2710  }
0x2a: {  	[sflag:s0] =	ssyncset.done $0x0  }
0x2b: {  	s15 =	simm.s32 $0x4FE0;
	[sflag:s0] =	ssyncadd.s32 $0xFFFFD8F0  }
0x2c: {  	[tilespmem:s15+$0xFFFFFFD0] =	vst v2  }
0x2d: {  	[tilespmem:s15+$0xFFFFFFE0] =	vst v2  }
0x2e: {  	[tilespmem:s15+$0xFFFFFFF0] =	vst v2  }
0x2f: {  	[tilespmem:s15+$0x0] =	vst v2  }
0x30: {  	[tilespmem:s15+$0x10] =	vst v2  }
0x31: {  	[tilespmem:s15+$0x20] =	vst v2  }
0x32: {  	[tilespmem:s15+$0x30] =	vst v2  }
0x33: {  	s19 =	simm.s32 $0x0;
	s16 =	simm.s32 $0x40;
	[tilespmem:s15+$0xFFFFFFC0] =	vst v2  }
.LBB2_2:
0x34: {  	p1 =	sne.s32 s16, $0x1FC0;
	[tilespmem:s19+$0x8FA0] =	vst v2;
	s15 =	sadd.s32 $0x80, s15  }
0x35: {  	[tilespmem:s15+$0xFFFFFFD0] =	vst v2  }
0x36: {  	[tilespmem:s15+$0xFFFFFFE0] =	vst v2  }
0x37: {  	[tilespmem:s15+$0xFFFFFFF0] =	vst v2  }
.Ltmp0:
0x38: {  	[tilespmem:s15+$0x0] =	vst v2;
	(pc) =	sbr.rel @p1 .LBB2_2-.Ltmp0, $4  }
0x39: {  	[tilespmem:s15+$0x10] =	vst v2  }
0x3a: {  	[tilespmem:s15+$0x20] =	vst v2  }
0x3b: {  	[tilespmem:s15+$0x30] =	vst v2  }
0x3c: {  	s19 =	sshra.s32 s16, $0x2;
	s16 =	sadd.s32 $0x40, s16;
	[tilespmem:s15+$0xFFFFFFC0] =	vst v2  }
0x3d: {  	[tilespmem:s19+$0x8FA0] =	vst v2  }
0x3e: {  	[spmem:s21] =	stream.linear.scatter [tilespmem:s5], [sflag:$0x2], $0x4000, $0x38;
	[tilespmem:$0x1FB20] =	vst v63  }
0x3f: {  	_ =	swait.ge [sflag:s0], $0x4000  }
0x40: {  	[sflag:s0] =	ssyncset.done $0x0  }
0x41: {  	[sflag:s0] =	ssyncadd.s32 $0xFFFFC000  }
0x42: {  	[spmem:s11] =	stream.linear.scatter [tilespmem:s6], [sflag:$0x2], $0x800, $0x38;
	[tilespmem:$0x1FB20] =	vst v63  }
0x43: {  	_ =	swait.ge [sflag:s0], $0x800  }
0x44: {  	[sflag:s0] =	ssyncset.done $0x0  }
0x45: {  	[sflag:s0] =	ssyncadd.s32 $0xFFFFF800  }
0x46: {  	[spmem:s31] =	stream.linear.scatter [tilespmem:s5], [sflag:$0x2], $0x4000, $0x38;
	[tilespmem:$0x1FB20] =	vst v63  }
0x47: {  	_ =	swait.ge [sflag:s0], $0x4000  }
0x48: {  	[sflag:s0] =	ssyncset.done $0x0  }
0x49: {  	s15 =	rddreg [dreg:$0x11];
	[sflag:s0] =	ssyncadd.s32 $0xFFFFC000  }
0x4a: {  	[spmem:s15] =	stream.linear.scatter [tilespmem:s6], [sflag:$0x2], $0x800, $0x38;
	[tilespmem:$0x1FB20] =	vst v63  }
0x4b: {  	_ =	swait.ge [sflag:s0], $0x800  }
0x4c: {  	[sflag:s0] =	ssyncset.done $0x0  }
0x4d: {  	[sflag:s0] =	ssyncadd.s32 $0xFFFFF800  }
0x4e: {  	[spmem:s24] =	stream.linear.scatter [tilespmem:s5], [sflag:$0x2], $0x4000, $0x38;
	[tilespmem:$0x1FB20] =	vst v63  }
0x4f: {  	_ =	swait.ge [sflag:s0], $0x4000  }
0x50: {  	[sflag:s0] =	ssyncset.done $0x0  }
0x51: {  	[sflag:s0] =	ssyncadd.s32 $0xFFFFC000  }
0x52: {  	[spmem:s25] =	stream.linear.scatter [tilespmem:s6], [sflag:$0x2], $0x800, $0x38;
	[tilespmem:$0x1FB20] =	vst v63  }
0x53: {  	_ =	swait.ge [sflag:s0], $0x800  }
0x54: {  	[sflag:s0] =	ssyncset.done $0x0  }
0x55: {  	[sflag:s0] =	ssyncadd.s32 $0xFFFFF800  }
0x56: {  	[spmem:s26] =	stream.linear.scatter [tilespmem:s5], [sflag:$0x2], $0x4000, $0x38;
	[tilespmem:$0x1FB20] =	vst v63  }
0x57: {  	_ =	swait.ge [sflag:s0], $0x4000  }
0x58: {  	[sflag:s0] =	ssyncset.done $0x0  }
0x59: {  	[sflag:s0] =	ssyncadd.s32 $0xFFFFC000  }
0x5a: {  	[spmem:s28] =	stream.linear.scatter [tilespmem:s6], [sflag:$0x2], $0x800, $0x38;
	[tilespmem:$0x1FB20] =	vst v63  }
0x5b: {  	_ =	swait.ge [sflag:s0], $0x800  }
0x5c: {  	[sflag:s0] =	ssyncset.done $0x0  }
0x5d: {  	[sflag:s0] =	ssyncadd.s32 $0xFFFFF800  }
0x5e: {  	[spmem:s29] =	stream.linear.scatter [tilespmem:s5], [sflag:$0x2], $0x3C00, $0x38;
	[tilespmem:$0x1FB20] =	vst v63  }
0x5f: {  	_ =	swait.ge [sflag:s0], $0x3C00  }
0x60: {  	[sflag:s0] =	ssyncset.done $0x0  }
0x61: {  	[sflag:s0] =	ssyncadd.s32 $0xFFFFC400  }
0x62: {  	[spmem:s30] =	stream.linear.scatter [tilespmem:s6], [sflag:$0x2], $0x780, $0x38;
	[tilespmem:$0x1FB20] =	vst v63  }
0x63: {  	_ =	swait.ge [sflag:s0], $0x780  }
0x64: {  	[sflag:s0] =	ssyncset.done $0x0  }
0x65: {  	s22 =	smov.u32 s21;
	s23 =	smov.u32 s31;
	[sflag:s0] =	ssyncadd.s32 $0xFFFFF880  }
0x66: {  	s16 =	simm.s32 $0x0;
	s15 =	simm.s32 $0x0;
	[bflag:$0x0] =	sbarrier.arrive $0xFFFF  }
.LBB2_4:
0x67: {  	s19 =	sshll.u32 s16, $0x7  }
0x68: {  	s19 =	sadd.s32 s4, s19  }
0x69: {  	s20 =	sshrl.u32 s19, $0x3  }
0x6a: {  	s31 =	sadd.s32 s17, s20  }
0x6b: {  	[tilespmem:s7], [sflag:$0x2] =	stream.linear.gather [hbm4b:s31+s15], $0x80, $0x38;
	[tilespmem:$0x1FB20] =	vst v63  }
0x6c: {  	_ =	swait.ge [sflag:s0], $0x80  }
0x6d: {  	[sflag:s0] =	ssyncset.done $0x0  }
0x6e: {  	s20 =	sadd.s32 s18, s20;
	[sflag:s0] =	ssyncadd.s32 $0xFFFFFF80  }
0x6f: {  	[tilespmem:s8], [sflag:$0x2] =	stream.linear.gather [hbm4b:s20+s15], $0x80, $0x38;
	[tilespmem:$0x1FB20] =	vst v63  }
0x70: {  	_ =	swait.ge [sflag:s0], $0x80  }
0x71: {  	[sflag:s0] =	ssyncset.done $0x0  }
0x72: {  	[sflag:s0] =	ssyncadd.s32 $0xFFFFFF80  }
0x73: {  	v10 =	vld [tilespmem:$0x4E20]  }
0x74: {  	v11 =	vld [tilespmem:$0x4EA0];
	_ =	sdelay $0x6  }
0x75: {  	v10 =	vld.idx.msk [tilespmem:v10+s15+$0x0], $0xffff  }
0x76: {  	v12 =	vld.idx.msk [tilespmem:v11+s3+$0x0], $0xffff;
	_ =	sdelay $0x4  }
0x77: {  	v10 =	vadd.f32 v12, v10;
	_ =	sdelay $0x1  }
0x78: {  	v12 =	vmul.f32 $2.000000030e-01, v10  }
0x79: {  	vm0 =	vgt.f32 v10, $0.0e+00  }
0x7a: {  	v10 =	vsel vm0, v10, v12  }
0x7b: {  	v10 =	vmul.f32 $1.442695020e+00, v10;
	_ =	sdelay $0x1  }
0x7c: {  	(erf) = vpow2.f32 v10;
	_ =	sdelay $0x8  }
0x7d: {  	p1 =	slt.u32 s19, $0x27100;
	v10 =	vpop (erf)  }
0x7e: {  	v10 =	vpsel !p1, $0x0, v10  }
0x7f: {  	[tilespmem:$0x4F20] =	vst v10  }
0x80: {  	[tilespmem:v0+s6+$0x0] =	vst.idx.msk $0xffff, v10  }
0x81: {  	v10 =	vld [tilespmem:$0x4E30]  }
0x82: {  	v12 =	vld [tilespmem:$0x4EB0];
	_ =	sdelay $0x4  }
0x83: {  	v11 =	vadd.s32 v1, v11  }
0x84: {  	[tilespmem:$0x4EA0] =	vst v11  }
0x85: {  	v10 =	vld.idx.msk [tilespmem:v10+s15+$0x0], $0xffff  }
0x86: {  	v11 =	vld.idx.msk [tilespmem:v12+s3+$0x0], $0xffff;
	_ =	sdelay $0x4  }
0x87: {  	v10 =	vadd.f32 v11, v10;
	_ =	sdelay $0x1  }
0x88: {  	v11 =	vmul.f32 $2.000000030e-01, v10  }
0x89: {  	vm9 =	vgt.f32 v10, $0.0e+00  }
0x8a: {  	v10 =	vsel vm9, v10, v11  }
0x8b: {  	v10 =	vmul.f32 $1.442695020e+00, v10;
	_ =	sdelay $0x1  }
0x8c: {  	(erf) = vpow2.f32 v10;
	_ =	sdelay $0x7  }
0x8d: {  	s21 =	sor.u32 $0x10, s19  }
0x8e: {  	p5 =	slt.u32 s21, $0x27100;
	v10 =	vpop (erf)  }
0x8f: {  	v10 =	vpsel !p5, $0x0, v10  }
0x90: {  	[tilespmem:$0x4F30] =	vst v10  }
0x91: {  	[tilespmem:v3+s6+$0x0] =	vst.idx.msk $0xffff, v10  }
0x92: {  	v10 =	vld [tilespmem:$0x4E40]  }
0x93: {  	v11 =	vld [tilespmem:$0x4EC0];
	_ =	sdelay $0x4  }
0x94: {  	v12 =	vadd.s32 v1, v12  }
0x95: {  	[tilespmem:$0x4EB0] =	vst v12  }
0x96: {  	v10 =	vld.idx.msk [tilespmem:v10+s15+$0x0], $0xffff  }
0x97: {  	v12 =	vld.idx.msk [tilespmem:v11+s3+$0x0], $0xffff;
	_ =	sdelay $0x4  }
0x98: {  	v10 =	vadd.f32 v12, v10;
	_ =	sdelay $0x1  }
0x99: {  	v12 =	vmul.f32 $2.000000030e-01, v10  }
0x9a: {  	vm10 =	vgt.f32 v10, $0.0e+00  }
0x9b: {  	v10 =	vsel vm10, v10, v12  }
0x9c: {  	v10 =	vmul.f32 $1.442695020e+00, v10;
	_ =	sdelay $0x1  }
0x9d: {  	(erf) = vpow2.f32 v10;
	_ =	sdelay $0x7  }
0x9e: {  	s21 =	sor.u32 $0x20, s19  }
0x9f: {  	p6 =	slt.u32 s21, $0x27100;
	v10 =	vpop (erf)  }
0xa0: {  	v10 =	vpsel !p6, $0x0, v10  }
0xa1: {  	[tilespmem:$0x4F40] =	vst v10  }
0xa2: {  	[tilespmem:v4+s6+$0x0] =	vst.idx.msk $0xffff, v10  }
0xa3: {  	v10 =	vld [tilespmem:$0x4E50]  }
0xa4: {  	v12 =	vld [tilespmem:$0x4ED0];
	_ =	sdelay $0x4  }
0xa5: {  	v11 =	vadd.s32 v1, v11  }
0xa6: {  	[tilespmem:$0x4EC0] =	vst v11  }
0xa7: {  	v10 =	vld.idx.msk [tilespmem:v10+s15+$0x0], $0xffff  }
0xa8: {  	v11 =	vld.idx.msk [tilespmem:v12+s3+$0x0], $0xffff;
	_ =	sdelay $0x4  }
0xa9: {  	v10 =	vadd.f32 v11, v10;
	_ =	sdelay $0x1  }
0xaa: {  	v11 =	vmul.f32 $2.000000030e-01, v10  }
0xab: {  	vm11 =	vgt.f32 v10, $0.0e+00  }
0xac: {  	v10 =	vsel vm11, v10, v11  }
0xad: {  	v10 =	vmul.f32 $1.442695020e+00, v10;
	_ =	sdelay $0x1  }
0xae: {  	(erf) = vpow2.f32 v10;
	_ =	sdelay $0x7  }
0xaf: {  	s21 =	sor.u32 $0x30, s19  }
0xb0: {  	p2 =	slt.u32 s21, $0x27100;
	v10 =	vpop (erf)  }
0xb1: {  	v10 =	vpsel !p2, $0x0, v10  }
0xb2: {  	[tilespmem:$0x4F50] =	vst v10  }
0xb3: {  	[tilespmem:v5+s6+$0x0] =	vst.idx.msk $0xffff, v10  }
0xb4: {  	v10 =	vld [tilespmem:$0x4E60]  }
0xb5: {  	v11 =	vld [tilespmem:$0x4EE0];
	_ =	sdelay $0x4  }
0xb6: {  	v12 =	vadd.s32 v1, v12  }
0xb7: {  	[tilespmem:$0x4ED0] =	vst v12  }
0xb8: {  	v10 =	vld.idx.msk [tilespmem:v10+s15+$0x0], $0xffff  }
0xb9: {  	v12 =	vld.idx.msk [tilespmem:v11+s3+$0x0], $0xffff;
	_ =	sdelay $0x4  }
0xba: {  	v10 =	vadd.f32 v12, v10;
	_ =	sdelay $0x1  }
0xbb: {  	v12 =	vmul.f32 $2.000000030e-01, v10  }
0xbc: {  	vm12 =	vgt.f32 v10, $0.0e+00  }
0xbd: {  	v10 =	vsel vm12, v10, v12  }
0xbe: {  	v10 =	vmul.f32 $1.442695020e+00, v10;
	_ =	sdelay $0x1  }
0xbf: {  	(erf) = vpow2.f32 v10;
	_ =	sdelay $0x7  }
0xc0: {  	s21 =	sor.u32 $0x40, s19  }
0xc1: {  	p3 =	slt.u32 s21, $0x27100;
	v10 =	vpop (erf)  }
0xc2: {  	v10 =	vpsel !p3, $0x0, v10  }
0xc3: {  	[tilespmem:$0x4F60] =	vst v10  }
0xc4: {  	[tilespmem:v6+s6+$0x0] =	vst.idx.msk $0xffff, v10  }
0xc5: {  	v10 =	vld [tilespmem:$0x4E70]  }
0xc6: {  	v12 =	vld [tilespmem:$0x4EF0];
	_ =	sdelay $0x4  }
0xc7: {  	v11 =	vadd.s32 v1, v11  }
0xc8: {  	[tilespmem:$0x4EE0] =	vst v11  }
0xc9: {  	v10 =	vld.idx.msk [tilespmem:v10+s15+$0x0], $0xffff  }
0xca: {  	v11 =	vld.idx.msk [tilespmem:v12+s3+$0x0], $0xffff;
	_ =	sdelay $0x4  }
0xcb: {  	v10 =	vadd.f32 v11, v10;
	_ =	sdelay $0x1  }
0xcc: {  	v11 =	vmul.f32 $2.000000030e-01, v10  }
0xcd: {  	vm13 =	vgt.f32 v10, $0.0e+00  }
0xce: {  	v10 =	vsel vm13, v10, v11  }
0xcf: {  	v10 =	vmul.f32 $1.442695020e+00, v10;
	_ =	sdelay $0x1  }
0xd0: {  	(erf) = vpow2.f32 v10;
	_ =	sdelay $0x7  }
0xd1: {  	s21 =	sor.u32 $0x50, s19  }
0xd2: {  	p4 =	slt.u32 s21, $0x27100;
	v10 =	vpop (erf)  }
0xd3: {  	v10 =	vpsel !p4, $0x0, v10  }
0xd4: {  	[tilespmem:$0x4F70] =	vst v10  }
0xd5: {  	[tilespmem:v7+s6+$0x0] =	vst.idx.msk $0xffff, v10  }
0xd6: {  	v10 =	vld [tilespmem:$0x4E80]  }
0xd7: {  	v11 =	vld [tilespmem:$0x4F00];
	_ =	sdelay $0x4  }
0xd8: {  	v12 =	vadd.s32 v1, v12  }
0xd9: {  	[tilespmem:$0x4EF0] =	vst v12  }
0xda: {  	v10 =	vld.idx.msk [tilespmem:v10+s15+$0x0], $0xffff  }
0xdb: {  	v12 =	vld.idx.msk [tilespmem:v11+s3+$0x0], $0xffff;
	_ =	sdelay $0x4  }
0xdc: {  	v10 =	vadd.f32 v12, v10;
	_ =	sdelay $0x1  }
0xdd: {  	v12 =	vmul.f32 $2.000000030e-01, v10  }
0xde: {  	vm14 =	vgt.f32 v10, $0.0e+00  }
0xdf: {  	v10 =	vsel vm14, v10, v12  }
0xe0: {  	v10 =	vmul.f32 $1.442695020e+00, v10;
	_ =	sdelay $0x1  }
0xe1: {  	(erf) = vpow2.f32 v10;
	_ =	sdelay $0x7  }
0xe2: {  	s21 =	sor.u32 $0x60, s19  }
0xe3: {  	p5 =	slt.u32 s21, $0x27100;
	v10 =	vpop (erf)  }
0xe4: {  	v10 =	vpsel !p5, $0x0, v10  }
0xe5: {  	[tilespmem:$0x4F80] =	vst v10  }
0xe6: {  	[tilespmem:v8+s6+$0x0] =	vst.idx.msk $0xffff, v10  }
0xe7: {  	v10 =	vld [tilespmem:$0x4E90]  }
0xe8: {  	v12 =	vld [tilespmem:$0x4F10];
	_ =	sdelay $0x4  }
0xe9: {  	v11 =	vadd.s32 v1, v11  }
0xea: {  	[tilespmem:$0x4F00] =	vst v11  }
0xeb: {  	v10 =	vld.idx.msk [tilespmem:v10+s15+$0x0], $0xffff  }
0xec: {  	v11 =	vld.idx.msk [tilespmem:v12+s3+$0x0], $0xffff;
	_ =	sdelay $0x4  }
0xed: {  	v10 =	vadd.f32 v11, v10;
	_ =	sdelay $0x1  }
0xee: {  	v11 =	vmul.f32 $2.000000030e-01, v10  }
0xef: {  	vm15 =	vgt.f32 v10, $0.0e+00  }
0xf0: {  	v10 =	vsel vm15, v10, v11  }
0xf1: {  	v10 =	vmul.f32 $1.442695020e+00, v10;
	_ =	sdelay $0x1  }
0xf2: {  	(erf) = vpow2.f32 v10;
	_ =	sdelay $0x7  }
0xf3: {  	s19 =	sor.u32 $0x70, s19  }
0xf4: {  	p6 =	slt.u32 s19, $0x27100;
	v10 =	vpop (erf)  }
0xf5: {  	v10 =	vpsel !p6, $0x0, v10  }
0xf6: {  	[tilespmem:$0x4F90] =	vst v10  }
0xf7: {  	[tilespmem:v9+s6+$0x0] =	vst.idx.msk $0xffff, v10;
	v10 =	vadd.s32 v1, v12  }
0xf8: {  	[tilespmem:$0x4F10] =	vst v10  }
0xf9: {  	[tilespmem:s5], [sflag:$0x1] =	stream.indirect.gather [hbm4b:s1+s9], $0x80, s8, s9, $0xb8;
	[tilespmem:$0x1FB20] =	vst v63  }
0xfa: {  	_ =	swait.ge [sflag:s10], $0x4000  }
0xfb: {  	v10 =	vmov s15;
	[sflag:s10] =	ssyncset.done $0x0  }
0xfc: {  	s19 =	simm.s32 $0x4FE0;
	[sflag:s10] =	ssyncadd.s32 $0xFFFFC000  }
0xfd: {  	v14 =	vld [tilespmem:s19+$0x30]  }
0xfe: {  	v17 =	vld [tilespmem:s19+$0x10]  }
0xff: {  	v15 =	vld [tilespmem:s19+$0xFFFFFFC0]  }
0x100: {  	v11 =	vld.idx.msk [tilespmem:v10+s12+$0x0], $0xffff  }
0x101: {  	v19 =	vld [tilespmem:s19+$0xFFFFFFE0]  }
0x102: {  	v10 =	vld [tilespmem:s19+$0xFFFFFFF0]  }
0x103: {  	v12 =	vld [tilespmem:s19+$0x20]  }
0x104: {  	v13 =	vld [tilespmem:s19+$0xFFFFFFD0]  }
0x105: {  	v18 =	vmul.f32 v14, v11;
	v14 =	vld [tilespmem:s19+$0x0]  }
0x106: {  	v16 =	vmul.f32 v15, v11  }
0x107: {  	s31 =	simm.s32 $0x4FE0;
	s20 =	simm.s32 $0x1;
	v15 =	vmul.f32 v19, v11;
	v17 =	vmul.f32 v17, v11  }
.LBB2_5:
0x108: {  	p1 =	sne.s32 s20, $0x7F  }
0x109: {  	v13 =	vmul.f32 v13, v11;
	v12 =	vmul.f32 v12, v11;
	[tilespmem:s19+$0x30] =	vst v18;
	s31 =	sadd.s32 $0x80, s31;
	s21 =	smov.u32 s20;
	s20 =	sadd.s32 $0x1, s20  }
0x10a: {  	[tilespmem:s19+$0xFFFFFFC0] =	vst v16;
	v16 =	vmul.f32 v10, v11;
	v11 =	vmul.f32 v14, v11  }
0x10b: {  	[tilespmem:s19+$0x10] =	vst v17  }
0x10c: {  	v14 =	vmov s21;
	[tilespmem:s19+$0xFFFFFFE0] =	vst v15  }
0x10d: {  	v10 =	vld [tilespmem:s31+$0xFFFFFFF0];
	[tilespmem:s19+$0xFFFFFFF0] =	vst v16  }
0x10e: {  	v15 =	vld [tilespmem:s31+$0x30];
	[tilespmem:s19+$0x0] =	vst v11  }
0x10f: {  	v17 =	vld [tilespmem:s31+$0x10];
	[tilespmem:s19+$0x20] =	vst v12  }
0x110: {  	v16 =	vld [tilespmem:s31+$0xFFFFFFC0];
	[tilespmem:s19+$0xFFFFFFD0] =	vst v13;
	s19 =	smov.u32 s31  }
0x111: {  	v11 =	vld.idx.msk [tilespmem:v14+s12+$0x0], $0xffff  }
0x112: {  	v19 =	vld [tilespmem:s31+$0xFFFFFFE0]  }
0x113: {  	v12 =	vld [tilespmem:s31+$0x20]  }
.Ltmp1:
0x114: {  	v13 =	vld [tilespmem:s31+$0xFFFFFFD0];
	(pc) =	sbr.rel @p1 .LBB2_5-.Ltmp1, $3  }
0x115: {  	v14 =	vld [tilespmem:s31+$0x0];
	_ =	sdelay $0x1  }
0x116: {  	v16 =	vmul.f32 v16, v11;
	v18 =	vmul.f32 v15, v11  }
0x117: {  	v17 =	vmul.f32 v17, v11;
	v15 =	vmul.f32 v19, v11  }
0x118: {  	[tilespmem:s19+$0x30] =	vst v18  }
0x119: {  	[tilespmem:s19+$0xFFFFFFC0] =	vst v16  }
0x11a: {  	v10 =	vmul.f32 v10, v11;
	[tilespmem:s19+$0x10] =	vst v17  }
0x11b: {  	v12 =	vmul.f32 v12, v11;
	[tilespmem:s19+$0xFFFFFFE0] =	vst v15  }
0x11c: {  	v14 =	vmul.f32 v14, v11;
	[tilespmem:s19+$0xFFFFFFF0] =	vst v10  }
0x11d: {  	v10 =	vmul.f32 v13, v11;
	[tilespmem:s19+$0x20] =	vst v12  }
0x11e: {  	[tilespmem:s19+$0x0] =	vst v14  }
0x11f: {  	[tilespmem:s19+$0xFFFFFFD0] =	vst v10  }
0x120: {  	[spmem:s2] =	stream.indirect.scatter.add.f32 [tilespmem:s5], [sflag:$0x2], $0x80, s7, s9, $0xb8;
	[tilespmem:$0x1FB20] =	vst v63  }
0x121: {  	s16 =	sadd.s32 $0x1, s16;
	_ =	swait.ge [sflag:s0], $0x4000  }
0x122: {  	p1 =	sne.s32 s16, $0x4F;
	[sflag:s0] =	ssyncset.done $0x0  }
.Ltmp2:
0x123: {  	[sflag:s0] =	ssyncadd.s32 $0xFFFFC000;
	(pc) =	sbr.rel @p1 .LBB2_4-.Ltmp2, $4  }
0x124: {  	[spmem:s14] =	stream.indirect.scatter.add.f32 [tilespmem:s6], [sflag:$0x2], $0x10, s7, s9, $0xb8;
	[tilespmem:$0x1FB20] =	vst v63  }
0x125: {  	_ =	swait.ge [sflag:s0], $0x800  }
0x126: {  	[sflag:s0] =	ssyncset.done $0x0  }
0x127: {  	[sflag:s0] =	ssyncadd.s32 $0xFFFFF800  }
0x128: {  	s15 =	stileid.u32  }
0x129: {  	[bflag:$0x0] =	sbarrier.arrive $0xFFFF;
	s15 =	sshll.u32 s15, $0x6  }
0x12a: {  	s16 =	sshrl.u32 s22, $0x3;
	s19 =	rddreg [dreg:$0x5];
	s15 =	sor.u32 $0x1C02, s15  }
0x12b: {  	[hbm:s19], [sflag:s15] =	dma.local [spmem:s16], $0x800  }
0x12c: {  	_ =	swait.ge [sflag:s0], $0x800  }
0x12d: {  	s21 =	smov.u32 s22;
	s31 =	smov.u32 s23;
	[sflag:s0] =	ssyncset.done $0x0  }
0x12e: {  	s22 =	sshrl.u32 s23, $0x3;
	s23 =	rddreg [dreg:$0x6];
	[sflag:s0] =	ssyncadd.s32 $0xFFFFF800  }
0x12f: {  	[hbm:s23], [sflag:s15] =	dma.local [spmem:s22], $0x800  }
0x130: {  	_ =	swait.ge [sflag:s0], $0x800  }
0x131: {  	[sflag:s0] =	ssyncset.done $0x0  }
0x132: {  	s19 =	sshrl.u32 s24, $0x3;
	s20 =	rddreg [dreg:$0x7];
	[sflag:s0] =	ssyncadd.s32 $0xFFFFF800  }
0x133: {  	[hbm:s20], [sflag:s15] =	dma.local [spmem:s19], $0x800  }
0x134: {  	_ =	swait.ge [sflag:s0], $0x800  }
0x135: {  	[sflag:s0] =	ssyncset.done $0x0  }
0x136: {  	s22 =	sshrl.u32 s26, $0x3;
	s23 =	rddreg [dreg:$0x8];
	[sflag:s0] =	ssyncadd.s32 $0xFFFFF800  }
0x137: {  	[hbm:s23], [sflag:s15] =	dma.local [spmem:s22], $0x800  }
0x138: {  	_ =	swait.ge [sflag:s0], $0x800  }
0x139: {  	[sflag:s0] =	ssyncset.done $0x0  }
0x13a: {  	s20 =	sshrl.u32 s29, $0x3;
	s22 =	rddreg [dreg:$0x9];
	[sflag:s0] =	ssyncadd.s32 $0xFFFFF800  }
0x13b: {  	[hbm:s22], [sflag:s15] =	dma.local [spmem:s20], $0x780  }
0x13c: {  	_ =	swait.ge [sflag:s0], $0x780  }
0x13d: {  	[sflag:s0] =	ssyncset.done $0x0  }
0x13e: {  	s16 =	sshrl.u32 @!p0 s11, $0x3;
	s19 =	rddreg [dreg:$0xa];
	[sflag:s0] =	ssyncadd.s32 $0xFFFFF880  }
0x13f: {  	[hbm:s19], [sflag:s15] =	dma.local @!p0 [spmem:s16], $0x100  }
0x140: {  	s16 =	simm.s32 @!p0 $0x2  }
0x141: {  	_ =	swait.ge @!p0 [sflag:s16], $0x100  }
0x142: {  	[sflag:s16] =	ssyncset.done @!p0 $0x0;
	s19 =	rddreg [dreg:$0x11]  }
0x143: {  	s20 =	rddreg [dreg:$0xb];
	[sflag:s16] =	ssyncadd.s32 @!p0 $0xFFFFFF00;
	s19 =	sshrl.u32 @!p0 s19, $0x3  }
0x144: {  	[hbm:s20], [sflag:s15] =	dma.local @!p0 [spmem:s19], $0x100  }
0x145: {  	_ =	swait.ge @!p0 [sflag:s16], $0x100  }
0x146: {  	[sflag:s16] =	ssyncset.done @!p0 $0x0  }
0x147: {  	s19 =	sshrl.u32 @!p0 s25, $0x3;
	s20 =	rddreg [dreg:$0xc];
	[sflag:s16] =	ssyncadd.s32 @!p0 $0xFFFFFF00  }
0x148: {  	[hbm:s20], [sflag:s15] =	dma.local @!p0 [spmem:s19], $0x100  }
0x149: {  	_ =	swait.ge @!p0 [sflag:s16], $0x100  }
0x14a: {  	[sflag:s16] =	ssyncset.done @!p0 $0x0  }
0x14b: {  	s19 =	sshrl.u32 @!p0 s28, $0x3;
	s20 =	rddreg [dreg:$0xd];
	[sflag:s16] =	ssyncadd.s32 @!p0 $0xFFFFFF00  }
0x14c: {  	[hbm:s20], [sflag:s15] =	dma.local @!p0 [spmem:s19], $0x100  }
0x14d: {  	_ =	swait.ge @!p0 [sflag:s16], $0x100  }
0x14e: {  	[sflag:s16] =	ssyncset.done @!p0 $0x0  }
0x14f: {  	s19 =	sshrl.u32 @!p0 s30, $0x3;
	s20 =	rddreg [dreg:$0xe];
	[sflag:s16] =	ssyncadd.s32 @!p0 $0xFFFFFF00  }
0x150: {  	[hbm:s20], [sflag:s15] =	dma.local @!p0 [spmem:s19], $0xF0  }
0x151: {  	_ =	swait.ge @!p0 [sflag:s16], $0xF0  }
0x152: {  	s13 =	sadd.s32 $0x1, s13;
	s23 =	rddreg [dreg:$0x12]  }
0x153: {  	p1 =	sne.s32 s13, s23  }
.Ltmp3:
0x154: {  	_ = 	snop;
	(pc) =	sbr.rel @p1 .LBB2_1-.Ltmp3, $3  }
0x155: {  	_ =	sdelay $0x1  }
0x156: {  	[sflag:s16] =	ssyncset.done @!p0 $0x0  }
0x157: {  	[sflag:s16] =	ssyncadd.s32 @!p0 $0xFFFFFF10  }
0x158: {  	_ =	sfence.sel $0x180000  }
0x159: {  	[bflag:$0x0] =	sbarrier.arrive $0xFFFF  }
0x15a: {  	_ =	strace $0x90000047  }
0x15b: {  	s0 =	stileid.u32;
	[bflag:$0x2] =	sbarrier.arrive $0xFFFF  }
0x15c: {  	p0 =	sne.s32 s0, $0x0;
	s0 =	rddreg [dreg:$0x4]  }
0x15d: {  	s0 =	sadd.s32 @!p0 $0x100000, s0  }
0x15e: {  	[sflag:s0] =	ssyncadd.tile.s32 @!p0 $0x1;
	_ =	shalt  }
.Lfunc_end2:
_tile_overlayer_lowered:
.L_overlay_start_2:
0x15f: {  	(tag) =	ssettag $0x2  }
0x160: {  	s0 =	rddreg [dreg:$0x0];
	s2 =	stileid.u32  }
0x161: {  	s1 =	rddreg [dreg:$0x1];
	p0 =	sne.s32 s2, $0x0  }
0x162: {  	s3 =	rddreg [dreg:$0x2];
	[bflag:$0x3] =	sbarrier.arrive $0xFFFF;
	s2 =	simm.s32 @!p0 $0x1C02  }
0x163: {  	[timem:s3], [sflag:s2] =	dma.local @!p0 [hbm:s0], s1  }
0x164: {  	s0 =	simm.s32 @!p0 $0x2  }
0x165: {  	_ =	swait.ge @!p0 [sflag:s0], s1  }
0x166: {  	s1 =	ssub.s32 @!p0 $0x0, s1;
	[sflag:s0] =	ssyncset.done @!p0 $0x0  }
0x167: {  	[sflag:s0] =	ssyncadd.s32 @!p0 s1  }
0x168: {  	[bflag:$0x3] =	sbarrier.arrive $0xFFFF  }
0x169: {  	_ =	shalt  }

</sc_bundles>
